<compile_context>
chip_gen: v7x
topology: tpu7x:2x2x1
jax: 0.10.2.dev20260603
libtpu: 0.0.44.dev20260713+nightly
codegen_flags: <defaults>
</compile_context>

<pallas_src>
import functools

import jax
import jax.numpy as jnp
from jax import lax
from jax.experimental import pallas as pl
from jax.experimental.pallas import tpu as pltpu
from jax.experimental.pallas import tpu_sc as plsc

NUM_CLASSES = 21
NPIX = 4 * 512 * 512
SPATIAL = 512 * 512
NBINS = 512
TBL = 2 * NBINS
LANES = 16
NCORES = 2
NSUB = 16
NW = NCORES * NSUB
PER_W = NPIX // NW
WORDS_W = PER_W // 2
UNROLL = 8
ROWS_PER_BATCH = SPATIAL // 128
ERR_BLOCK_ROWS = 256


def _index_body(x_ref, t_ref, o_ref):
    xb = x_ref[0]
    m = jnp.max(xb, axis=0, keepdims=True)
    ex = jnp.exp(xb - m)
    p = ex / jnp.sum(ex, axis=0, keepdims=True)
    tb = t_ref[0]
    cls = lax.broadcasted_iota(jnp.int32, (NUM_CLASSES, 1, 1), 0)
    fg = tb[None, :, :] == cls
    eabs = jnp.abs(fg.astype(jnp.float32) - p)
    bn = jnp.minimum((eabs * float(NBINS)).astype(jnp.int32),
                     jnp.int32(NBINS - 1))
    lane = lax.broadcasted_iota(
        jnp.int32, (NUM_CLASSES, ERR_BLOCK_ROWS, 128), 2) & 15
    idx = lane * TBL + jnp.where(fg, jnp.int32(NBINS), 0) + bn
    half = ERR_BLOCK_ROWS // 2
    o_ref[0] = idx[:, :half, :] | (idx[:, half:, :] << 16)


def _sc_hist_body(idx_ref, out_ref, buf0, buf1, table, red, insem, outsem):
    core = lax.axis_index("c")
    sub = lax.axis_index("s")
    w = sub * NCORES + core
    ones = jnp.full((LANES,), 1.0, jnp.float32)
    zeros = jnp.zeros((LANES,), jnp.float32)

    def _zt(j, carry):
        table[pl.ds(j * 16, 16)] = zeros
        return carry
    lax.fori_loop(0, LANES * TBL // 16, _zt, 0)

    b = w // 8
    p8 = w % 8

    def _in_copy(c, bufref, slot):
        off = (b * NUM_CLASSES + c) * (SPATIAL // 2) + p8 * WORDS_W
        return pltpu.make_async_copy(
            idx_ref.at[pl.ds(off, WORDS_W)], bufref, insem.at[slot])

    _in_copy(0, buf0, 0).start()

    def _hist_pass(src):
        def _vec(i, carry2):
            vs = [src[pl.ds((i * UNROLL + u) * LANES, LANES)]
                  for u in range(UNROLL)]
            idxs = []
            for v in vs:
                idxs.append(v & jnp.int32(0xFFFF))
                idxs.append(lax.shift_right_logical(v, 16))
            for ix in idxs:
                plsc.addupdate_scatter(table, [ix], ones)
            return carry2
        lax.fori_loop(0, WORDS_W // (LANES * UNROLL), _vec, 0)

    def _class(c, carry):
        par = c % 2

        @pl.when(jnp.logical_and(c + 1 < NUM_CLASSES, par == 0))
        def _():
            _in_copy(c + 1, buf1, 1).start()

        @pl.when(jnp.logical_and(c + 1 < NUM_CLASSES, par == 1))
        def _():
            _in_copy(c + 1, buf0, 0).start()

        @pl.when(par == 0)
        def _():
            _in_copy(c, buf0, 0).wait()
            _hist_pass(buf0)

        @pl.when(par == 1)
        def _():
            _in_copy(c, buf1, 1).wait()
            _hist_pass(buf1)

        @pl.when(c >= 2)
        def _():
            pltpu.make_async_copy(
                red.at[par], out_ref.at[c - 2, w], outsem.at[par]).wait()

        def _red(j, carry2):
            col = j * 16
            acc = table[pl.ds(col, 16)]
            table[pl.ds(col, 16)] = zeros
            for l in range(1, LANES):
                acc = acc + table[pl.ds(l * TBL + col, 16)]
                table[pl.ds(l * TBL + col, 16)] = zeros
            red[par, pl.ds(col, 16)] = acc
            return carry2
        lax.fori_loop(0, TBL // 16, _red, 0)

        pltpu.make_async_copy(
            red.at[par], out_ref.at[c, w], outsem.at[par]).start()
        return carry
    lax.fori_loop(0, NUM_CLASSES, _class, 0)

    for c in (NUM_CLASSES - 2, NUM_CLASSES - 1):
        par = c % 2
        pltpu.make_async_copy(
            red.at[par], out_ref.at[c, w], outsem.at[par]).wait()


def _finalize_body(h_ref, o_ref):
    h = h_ref[...]
    h = jnp.sum(h, axis=1)
    n0 = h[:, :NBINS]
    n1 = h[:, NBINS:]
    n = n0 + n1

    def cumsum_last(v):
        d = 1
        while d < NBINS:
            v = v + jnp.concatenate(
                [jnp.zeros((NUM_CLASSES, d), jnp.float32), v[:, :-d]], axis=1)
            d *= 2
        return v

    cn = cumsum_last(n)
    cm = cumsum_last(n1)
    S = cm[:, NBINS - 1:NBINS]
    tot = cn[:, NBINS - 1:NBINS]
    ks = tot - cn
    ke = ks + n
    ss = S - cm
    se = ss + n1

    def jac(k, s):
        return jnp.where(k == 0.0, 0.0,
                         1.0 - (S - s) / jnp.maximum(S + k - s, 1.0))

    mid = (lax.broadcasted_iota(jnp.int32, (1, NBINS), 1).astype(jnp.float32)
           + 0.5) * jnp.float32(1.0 / NBINS)
    contrib = mid * (jac(ke, se) - jac(ks, ss))
    o_ref[...] = (jnp.sum(contrib) * jnp.float32(1.0 / NUM_CLASSES)
                  ).reshape(1, 1)


@jax.jit
def kernel(x, target):
    t32 = target.astype(jnp.int32)
    x4 = x.reshape(4, NUM_CLASSES, ROWS_PER_BATCH, 128)
    t4 = t32.reshape(4, ROWS_PER_BATCH, 128)

    idx = pl.pallas_call(
        _index_body,
        grid=(4, ROWS_PER_BATCH // ERR_BLOCK_ROWS),
        in_specs=[
            pl.BlockSpec((1, NUM_CLASSES, ERR_BLOCK_ROWS, 128),
                         lambda b, i: (b, 0, i, 0)),
            pl.BlockSpec((1, ERR_BLOCK_ROWS, 128), lambda b, i: (b, i, 0)),
        ],
        out_specs=pl.BlockSpec((1, NUM_CLASSES, ERR_BLOCK_ROWS // 2, 128),
                               lambda b, i: (b, 0, i, 0)),
        out_shape=jax.ShapeDtypeStruct(
            (4, NUM_CLASSES, ROWS_PER_BATCH // 2, 128), jnp.int32),
    )(x4, t4)
    idx_words = idx.reshape(4 * NUM_CLASSES * SPATIAL // 2)

    hist = pl.kernel(
        _sc_hist_body,
        out_type=jax.ShapeDtypeStruct(
            (NUM_CLASSES, NW, TBL), jnp.float32),
        mesh=plsc.VectorSubcoreMesh(core_axis_name="c", subcore_axis_name="s"),
        compiler_params=pltpu.CompilerParams(needs_layout_passes=False),
        scratch_types=[
            pltpu.VMEM((WORDS_W,), jnp.int32),
            pltpu.VMEM((WORDS_W,), jnp.int32),
            pltpu.VMEM((LANES * TBL,), jnp.float32),
            pltpu.VMEM((2, TBL), jnp.float32),
            pltpu.SemaphoreType.DMA((2,)),
            pltpu.SemaphoreType.DMA((2,)),
        ],
    )(idx_words)

    loss = pl.pallas_call(
        _finalize_body,
        out_shape=jax.ShapeDtypeStruct((1, 1), jnp.float32),
    )(hist)
    return loss.reshape(())

# --- scband reference (transcript-rebuilt; emitter-appended) ---
"""Pipeline reference for scband-lovasz-softmax-68453188763877 (READ-ONLY COPY).

The authoritative reference and input builder live on the scoring server;
editing this copy changes nothing except your own understanding.
"""

import jax, jax.numpy as jnp
import numpy as np


def setup_inputs(seed: int = 0) -> dict:
    key = jax.random.key(seed)
    k1, k2 = jax.random.split(key)
    x = jax.random.normal(k1, (4, 21, 512, 512), dtype=jnp.float32)
    target = jax.random.randint(k2, (4, 512, 512), 0, 21, dtype=jnp.int64)
    return {"x": x, "target": target}


def _lovasz_grad(gt_sorted):
    p = gt_sorted.shape[0]
    gts = gt_sorted.sum()
    intersection = gts - jnp.cumsum(gt_sorted.astype(jnp.float32), axis=0)
    union = gts + jnp.cumsum((1.0 - gt_sorted).astype(jnp.float32), axis=0)
    jaccard = 1.0 - intersection / union
    if p > 1:
        jaccard = jnp.concatenate([jaccard[:1], jaccard[1:] - jaccard[:-1]], axis=0)
    return jaccard


def reference(x, target):
    num_classes = x.shape[1]
    probas = jax.nn.softmax(x, axis=1)
    loss = 0.0
    for c in range(num_classes):
        fg = (target == c).astype(jnp.float32).reshape(-1)
        class_proba = probas[:, c].reshape(-1)
        errors = jnp.abs(fg - class_proba)
        perm = jnp.argsort(-errors)
        errors_sorted = errors[perm]
        fg_sorted = fg[perm]
        grad = _lovasz_grad(fg_sorted)
        class_loss = jnp.dot(errors_sorted, grad)
        loss = loss + class_loss
    final_loss = loss / num_classes
    return final_loss

if __name__ == "__main__":
    import jax
    _d = setup_inputs()
    print(jax.jit(kernel)(*tuple(_d.values())))

</pallas_src>

<mosaic_0001>
#map = affine_map<(d0, d1) -> (0)>
#map1 = affine_map<(d0, d1) -> (0, 0, 0)>
module attributes {stable_mosaic.version = 14 : i64} {
  func.func @_sc_hist_body(%arg0: i32, %arg1: i32, %arg2: memref<11010048xi32, #tpu.memory_space<hbm>>, %arg3: memref<21x32x1024xf32, #tpu.memory_space<hbm>>, %arg4: memref<16384xi32, #tpu.memory_space<vmem>>, %arg5: memref<16384xi32, #tpu.memory_space<vmem>>, %arg6: memref<16384xf32, #tpu.memory_space<vmem>>, %arg7: memref<2x1024xf32, #tpu.memory_space<vmem>>, %arg8: memref<2x!tpu.dma_semaphore, #tpu.memory_space<semaphore_mem>>, %arg9: memref<2x!tpu.dma_semaphore, #tpu.memory_space<semaphore_mem>>) attributes {dimension_semantics = [#tpu.dimension_semantics<core_parallel>, #tpu.dimension_semantics<subcore_parallel>], iteration_bounds = array<i64: 2, 16>, scalar_prefetch = 0 : i64, scratch_operands = 6 : i64, tpu.core_type = #tpu.core_type<sc_vector_subcore>, window_params = [{transform_indices = #map}, {transform_indices = #map1}]} {
    %mul3A = arith.constant 2 : i32
    %mul3A_0 = arith.muli %arg1, %mul3A : i32
    %add3A = arith.addi %mul3A_0, %arg0 : i32
    %broadcast_in_dim3A = arith.constant 1.000000e+00 : f32
    %broadcast_in_dim3A_1 = vector.broadcast %broadcast_in_dim3A : f32 to vector<16xf32>
    %broadcast_in_dim3A_2 = arith.constant 0.000000e+00 : f32
    %broadcast_in_dim3A_3 = vector.broadcast %broadcast_in_dim3A_2 : f32 to vector<16xf32>
    %scan3A = arith.constant 0 : i32
    %scan3A_4 = arith.constant 0 : i32
    %scan3A_5 = arith.constant 1024 : i32
    %scan3A_6 = arith.addi %scan3A_4, %scan3A_5 : i32
    %scan3A_7 = arith.constant 1 : i32
    scf.for %scan3A_91 = %scan3A_4 to %scan3A_6 step %scan3A_7  : i32 {
      %mul3A_92 = arith.constant 16 : i32
      %mul3A_93 = arith.muli %scan3A_91, %mul3A_92 : i32
      %swap3A = arith.index_cast %mul3A_93 : i32 to index
      %swap3A_94 = tpu.vector_load %arg6[%swap3A] {strides = array<i32>} : memref<16384xf32, #tpu.memory_space<vmem>>, vector<16xf32>,
      tpu.vector_store %arg6[%swap3A], %broadcast_in_dim3A_3 {strides = array<i32>} : memref<16384xf32, #tpu.memory_space<vmem>>, vector<16xf32>,
    }
    %scan3A_8 = arith.constant 1024 : i32
    %jit3A = arith.constant 8 : i32
    %div3A = arith.divsi %add3A, %jit3A : i32
    %sign3A = arith.constant 0 : i32
    %sign3A_9 = arith.cmpi sgt, %add3A, %sign3A : i32
    %sign3A_10 = arith.extui %sign3A_9 : i1 to i32
    %sign3A_11 = arith.constant 0 : i32
    %sign3A_12 = arith.cmpi slt, %add3A, %sign3A_11 : i32
    %sign3A_13 = arith.extui %sign3A_12 : i1 to i32
    %sign3A_14 = arith.subi %sign3A_10, %sign3A_13 : i32
    %sign3A_15 = arith.constant 0 : i32
    %sign3A_16 = arith.cmpi sgt, %jit3A, %sign3A_15 : i32
    %sign3A_17 = arith.extui %sign3A_16 : i1 to i32
    %sign3A_18 = arith.constant 0 : i32
    %sign3A_19 = arith.cmpi slt, %jit3A, %sign3A_18 : i32
    %sign3A_20 = arith.extui %sign3A_19 : i1 to i32
    %sign3A_21 = arith.subi %sign3A_17, %sign3A_20 : i32
    %ne3A = arith.cmpi ne, %sign3A_14, %sign3A_21 : i32
    %rem3A = arith.remsi %add3A, %jit3A : i32
    %ne3A_22 = arith.constant 0 : i32
    %ne3A_23 = arith.cmpi ne, %rem3A, %ne3A_22 : i32
    %and3A = arith.andi %ne3A, %ne3A_23 : i1
    %sub3A = arith.constant 1 : i32
    %sub3A_24 = arith.subi %div3A, %sub3A : i32
    %select_n3A = arith.select %and3A, %sub3A_24, %div3A : i32
    %jit3A_25 = arith.constant 8 : i32
    %eq3A = arith.constant 0 : i32
    %eq3A_26 = arith.cmpi eq, %jit3A_25, %eq3A : i32
    %jit3A_27 = arith.constant 1 : i32
    %select_n3A_28 = arith.select %eq3A_26, %jit3A_27, %jit3A_25 : i32
    %rem3A_29 = arith.remsi %add3A, %select_n3A_28 : i32
    %ne3A_30 = arith.constant 0 : i32
    %ne3A_31 = arith.cmpi ne, %rem3A_29, %ne3A_30 : i32
    %lt3A = arith.constant 0 : i32
    %lt3A_32 = arith.cmpi slt, %rem3A_29, %lt3A : i32
    %lt3A_33 = arith.constant 0 : i32
    %lt3A_34 = arith.cmpi slt, %select_n3A_28, %lt3A_33 : i32
    %ne3A_35 = arith.xori %lt3A_32, %lt3A_34 : i1
    %and3A_36 = arith.andi %ne3A_35, %ne3A_31 : i1
    %add3A_37 = arith.addi %rem3A_29, %select_n3A_28 : i32
    %select_n3A_38 = arith.select %and3A_36, %add3A_37, %rem3A_29 : i32
    %mul3A_39 = arith.constant 21 : i32
    %mul3A_40 = arith.muli %select_n3A, %mul3A_39 : i32
    %add3A_41 = arith.constant 0 : i32
    %add3A_42 = arith.addi %mul3A_40, %add3A_41 : i32
    %mul3A_43 = arith.constant 131072 : i32
    %mul3A_44 = arith.muli %add3A_42, %mul3A_43 : i32
    %mul3A_45 = arith.constant 16384 : i32
    %mul3A_46 = arith.muli %select_n3A_38, %mul3A_45 : i32
    %add3A_47 = arith.addi %mul3A_44, %mul3A_46 : i32
    %dma_start3A = arith.constant 0 : i32
    %dma_start3A_48 = tpu.memref_slice %arg2[%add3A_47] : memref<11010048xi32, #tpu.memory_space<hbm>> -> memref<16384xi32, #tpu.memory_space<hbm>>
    %dma_start3A_49 = tpu.memref_slice %arg8[%dma_start3A] : memref<2x!tpu.dma_semaphore, #tpu.memory_space<semaphore_mem>> -> memref<1x!tpu.dma_semaphore, #tpu.memory_space<semaphore_mem>>
    %dma_start3A_50 = tpu.memref_squeeze %dma_start3A_49 : memref<1x!tpu.dma_semaphore, #tpu.memory_space<semaphore_mem>> -> memref<!tpu.dma_semaphore, #tpu.memory_space<semaphore_mem>>
    %dma_start3A_51 = tpu.memref_slice %arg2[%add3A_47] : memref<11010048xi32, #tpu.memory_space<hbm>> -> memref<16384xi32, #tpu.memory_space<hbm>>
    tpu.enqueue_dma source(%dma_start3A_51 : memref<16384xi32, #tpu.memory_space<hbm>>) target(%arg4 : memref<16384xi32, #tpu.memory_space<vmem>>) target_semaphore(%dma_start3A_50 : memref<!tpu.dma_semaphore, #tpu.memory_space<semaphore_mem>>)
    %scan3A_52 = arith.constant 0 : i32
    %scan3A_53 = arith.constant 0 : i32
    %scan3A_54 = arith.constant 21 : i32
    %scan3A_55 = arith.addi %scan3A_53, %scan3A_54 : i32
    %scan3A_56 = arith.constant 1 : i32
    scf.for %scan3A_91 = %scan3A_53 to %scan3A_55 step %scan3A_56  : i32 {
      %jit3A_92 = arith.constant 2 : i32
      %eq3A_93 = arith.constant 0 : i32
      %eq3A_94 = arith.cmpi eq, %jit3A_92, %eq3A_93 : i32
      %jit3A_95 = arith.constant 1 : i32
      %select_n3A_96 = arith.select %eq3A_94, %jit3A_95, %jit3A_92 : i32
      %rem3A_97 = arith.remsi %scan3A_91, %select_n3A_96 : i32
      %ne3A_98 = arith.constant 0 : i32
      %ne3A_99 = arith.cmpi ne, %rem3A_97, %ne3A_98 : i32
      %lt3A_100 = arith.constant 0 : i32
      %lt3A_101 = arith.cmpi slt, %rem3A_97, %lt3A_100 : i32
      %lt3A_102 = arith.constant 0 : i32
      %lt3A_103 = arith.cmpi slt, %select_n3A_96, %lt3A_102 : i32
      %ne3A_104 = arith.xori %lt3A_101, %lt3A_103 : i1
      %and3A_105 = arith.andi %ne3A_104, %ne3A_99 : i1
      %add3A_106 = arith.addi %rem3A_97, %select_n3A_96 : i32
      %select_n3A_107 = arith.select %and3A_105, %add3A_106, %rem3A_97 : i32
      %add3A_108 = arith.constant 1 : i32
      %add3A_109 = arith.addi %scan3A_91, %add3A_108 : i32
      %lt3A_110 = arith.constant 21 : i32
      %lt3A_111 = arith.cmpi slt, %add3A_109, %lt3A_110 : i32
      %eq3A_112 = arith.constant 0 : i32
      %eq3A_113 = arith.cmpi eq, %select_n3A_107, %eq3A_112 : i32
      %and3A_114 = arith.andi %lt3A_111, %eq3A_113 : i1
      %convert_element_type3A = arith.extui %and3A_114 : i1 to i32
      %cond3A = arith.constant 0 : i32
      %cond3A_115 = arith.cmpi ne, %convert_element_type3A, %cond3A : i32
      scf.if %cond3A_115 {
        %add3A_160 = arith.constant 1 : i32
        %add3A_161 = arith.addi %scan3A_91, %add3A_160 : i32
        %mul3A_162 = arith.constant 21 : i32
        %mul3A_163 = arith.muli %select_n3A, %mul3A_162 : i32
        %add3A_164 = arith.addi %mul3A_163, %add3A_161 : i32
        %mul3A_165 = arith.constant 131072 : i32
        %mul3A_166 = arith.muli %add3A_164, %mul3A_165 : i32
        %mul3A_167 = arith.constant 16384 : i32
        %mul3A_168 = arith.muli %select_n3A_38, %mul3A_167 : i32
        %add3A_169 = arith.addi %mul3A_166, %mul3A_168 : i32
        %dma_start3A_170 = arith.constant 1 : i32
        %dma_start3A_171 = tpu.memref_slice %arg2[%add3A_169] : memref<11010048xi32, #tpu.memory_space<hbm>> -> memref<16384xi32, #tpu.memory_space<hbm>>
        %dma_start3A_172 = tpu.memref_slice %arg8[%dma_start3A_170] : memref<2x!tpu.dma_semaphore, #tpu.memory_space<semaphore_mem>> -> memref<1x!tpu.dma_semaphore, #tpu.memory_space<semaphore_mem>>
        %dma_start3A_173 = tpu.memref_squeeze %dma_start3A_172 : memref<1x!tpu.dma_semaphore, #tpu.memory_space<semaphore_mem>> -> memref<!tpu.dma_semaphore, #tpu.memory_space<semaphore_mem>>
        %dma_start3A_174 = tpu.memref_slice %arg2[%add3A_169] : memref<11010048xi32, #tpu.memory_space<hbm>> -> memref<16384xi32, #tpu.memory_space<hbm>>
        tpu.enqueue_dma source(%dma_start3A_174 : memref<16384xi32, #tpu.memory_space<hbm>>) target(%arg5 : memref<16384xi32, #tpu.memory_space<vmem>>) target_semaphore(%dma_start3A_173 : memref<!tpu.dma_semaphore, #tpu.memory_space<semaphore_mem>>)
      } else {
      }
      %add3A_116 = arith.constant 1 : i32
      %add3A_117 = arith.addi %scan3A_91, %add3A_116 : i32
      %lt3A_118 = arith.constant 21 : i32
      %lt3A_119 = arith.cmpi slt, %add3A_117, %lt3A_118 : i32
      %eq3A_120 = arith.constant 1 : i32
      %eq3A_121 = arith.cmpi eq, %select_n3A_107, %eq3A_120 : i32
      %and3A_122 = arith.andi %lt3A_119, %eq3A_121 : i1
      %convert_element_type3A_123 = arith.extui %and3A_122 : i1 to i32
      %cond3A_124 = arith.constant 0 : i32
      %cond3A_125 = arith.cmpi ne, %convert_element_type3A_123, %cond3A_124 : i32
      scf.if %cond3A_125 {
        %add3A_160 = arith.constant 1 : i32
        %add3A_161 = arith.addi %scan3A_91, %add3A_160 : i32
        %mul3A_162 = arith.constant 21 : i32
        %mul3A_163 = arith.muli %select_n3A, %mul3A_162 : i32
        %add3A_164 = arith.addi %mul3A_163, %add3A_161 : i32
        %mul3A_165 = arith.constant 131072 : i32
        %mul3A_166 = arith.muli %add3A_164, %mul3A_165 : i32
        %mul3A_167 = arith.constant 16384 : i32
        %mul3A_168 = arith.muli %select_n3A_38, %mul3A_167 : i32
        %add3A_169 = arith.addi %mul3A_166, %mul3A_168 : i32
        %dma_start3A_170 = arith.constant 0 : i32
        %dma_start3A_171 = tpu.memref_slice %arg2[%add3A_169] : memref<11010048xi32, #tpu.memory_space<hbm>> -> memref<16384xi32, #tpu.memory_space<hbm>>
        %dma_start3A_172 = tpu.memref_slice %arg8[%dma_start3A_170] : memref<2x!tpu.dma_semaphore, #tpu.memory_space<semaphore_mem>> -> memref<1x!tpu.dma_semaphore, #tpu.memory_space<semaphore_mem>>
        %dma_start3A_173 = tpu.memref_squeeze %dma_start3A_172 : memref<1x!tpu.dma_semaphore, #tpu.memory_space<semaphore_mem>> -> memref<!tpu.dma_semaphore, #tpu.memory_space<semaphore_mem>>
        %dma_start3A_174 = tpu.memref_slice %arg2[%add3A_169] : memref<11010048xi32, #tpu.memory_space<hbm>> -> memref<16384xi32, #tpu.memory_space<hbm>>
        tpu.enqueue_dma source(%dma_start3A_174 : memref<16384xi32, #tpu.memory_space<hbm>>) target(%arg4 : memref<16384xi32, #tpu.memory_space<vmem>>) target_semaphore(%dma_start3A_173 : memref<!tpu.dma_semaphore, #tpu.memory_space<semaphore_mem>>)
      } else {
      }
      %eq3A_126 = arith.constant 0 : i32
      %eq3A_127 = arith.cmpi eq, %select_n3A_107, %eq3A_126 : i32
      %convert_element_type3A_128 = arith.extui %eq3A_127 : i1 to i32
      %cond3A_129 = arith.constant 0 : i32
      %cond3A_130 = arith.cmpi ne, %convert_element_type3A_128, %cond3A_129 : i32
      scf.if %cond3A_130 {
        %mul3A_160 = arith.constant 21 : i32
        %mul3A_161 = arith.muli %select_n3A, %mul3A_160 : i32
        %add3A_162 = arith.addi %mul3A_161, %scan3A_91 : i32
        %mul3A_163 = arith.constant 131072 : i32
        %mul3A_164 = arith.muli %add3A_162, %mul3A_163 : i32
        %mul3A_165 = arith.constant 16384 : i32
        %mul3A_166 = arith.muli %select_n3A_38, %mul3A_165 : i32
        %add3A_167 = arith.addi %mul3A_164, %mul3A_166 : i32
        %dma_wait3A_168 = arith.constant 0 : i32
        %dma_wait3A_169 = tpu.memref_slice %arg2[%add3A_167] : memref<11010048xi32, #tpu.memory_space<hbm>> -> memref<16384xi32, #tpu.memory_space<hbm>>
        %dma_wait3A_170 = tpu.memref_slice %arg8[%dma_wait3A_168] : memref<2x!tpu.dma_semaphore, #tpu.memory_space<semaphore_mem>> -> memref<1x!tpu.dma_semaphore, #tpu.memory_space<semaphore_mem>>
        %dma_wait3A_171 = tpu.memref_squeeze %dma_wait3A_170 : memref<1x!tpu.dma_semaphore, #tpu.memory_space<semaphore_mem>> -> memref<!tpu.dma_semaphore, #tpu.memory_space<semaphore_mem>>
        %dma_wait3A_172 = tpu.memref_slice %arg2[%add3A_167] : memref<11010048xi32, #tpu.memory_space<hbm>> -> memref<16384xi32, #tpu.memory_space<hbm>>
        tpu.wait_dma2 semaphore(%dma_wait3A_171 : memref<!tpu.dma_semaphore, #tpu.memory_space<semaphore_mem>>) src(%dma_wait3A_172 : memref<16384xi32, #tpu.memory_space<hbm>>) dst(%arg4 : memref<16384xi32, #tpu.memory_space<vmem>>)
        %scan3A_173 = arith.constant 0 : i32
        %scan3A_174 = arith.constant 0 : i32
        %scan3A_175 = arith.constant 128 : i32
        %scan3A_176 = arith.addi %scan3A_174, %scan3A_175 : i32
        %scan3A_177 = arith.constant 1 : i32
        scf.for %scan3A_179 = %scan3A_174 to %scan3A_176 step %scan3A_177  : i32 {
          %mul3A_180 = arith.constant 8 : i32
          %mul3A_181 = arith.muli %scan3A_179, %mul3A_180 : i32
          %add3A_182 = arith.constant 0 : i32
          %add3A_183 = arith.addi %mul3A_181, %add3A_182 : i32
          %mul3A_184 = arith.constant 16 : i32
          %mul3A_185 = arith.muli %add3A_183, %mul3A_184 : i32
          %get3A = arith.index_cast %mul3A_185 : i32 to index
          %get3A_186 = tpu.vector_load %arg4[%get3A] {strides = array<i32>} : memref<16384xi32, #tpu.memory_space<vmem>>, vector<16xi32>,
          %mul3A_187 = arith.constant 8 : i32
          %mul3A_188 = arith.muli %scan3A_179, %mul3A_187 : i32
          %add3A_189 = arith.constant 1 : i32
          %add3A_190 = arith.addi %mul3A_188, %add3A_189 : i32
          %mul3A_191 = arith.constant 16 : i32
          %mul3A_192 = arith.muli %add3A_190, %mul3A_191 : i32
          %get3A_193 = arith.index_cast %mul3A_192 : i32 to index
          %get3A_194 = tpu.vector_load %arg4[%get3A_193] {strides = array<i32>} : memref<16384xi32, #tpu.memory_space<vmem>>, vector<16xi32>,
          %mul3A_195 = arith.constant 8 : i32
          %mul3A_196 = arith.muli %scan3A_179, %mul3A_195 : i32
          %add3A_197 = arith.constant 2 : i32
          %add3A_198 = arith.addi %mul3A_196, %add3A_197 : i32
          %mul3A_199 = arith.constant 16 : i32
          %mul3A_200 = arith.muli %add3A_198, %mul3A_199 : i32
          %get3A_201 = arith.index_cast %mul3A_200 : i32 to index
          %get3A_202 = tpu.vector_load %arg4[%get3A_201] {strides = array<i32>} : memref<16384xi32, #tpu.memory_space<vmem>>, vector<16xi32>,
          %mul3A_203 = arith.constant 8 : i32
          %mul3A_204 = arith.muli %scan3A_179, %mul3A_203 : i32
          %add3A_205 = arith.constant 3 : i32
          %add3A_206 = arith.addi %mul3A_204, %add3A_205 : i32
          %mul3A_207 = arith.constant 16 : i32
          %mul3A_208 = arith.muli %add3A_206, %mul3A_207 : i32
          %get3A_209 = arith.index_cast %mul3A_208 : i32 to index
          %get3A_210 = tpu.vector_load %arg4[%get3A_209] {strides = array<i32>} : memref<16384xi32, #tpu.memory_space<vmem>>, vector<16xi32>,
          %mul3A_211 = arith.constant 8 : i32
          %mul3A_212 = arith.muli %scan3A_179, %mul3A_211 : i32
          %add3A_213 = arith.constant 4 : i32
          %add3A_214 = arith.addi %mul3A_212, %add3A_213 : i32
          %mul3A_215 = arith.constant 16 : i32
          %mul3A_216 = arith.muli %add3A_214, %mul3A_215 : i32
          %get3A_217 = arith.index_cast %mul3A_216 : i32 to index
          %get3A_218 = tpu.vector_load %arg4[%get3A_217] {strides = array<i32>} : memref<16384xi32, #tpu.memory_space<vmem>>, vector<16xi32>,
          %mul3A_219 = arith.constant 8 : i32
          %mul3A_220 = arith.muli %scan3A_179, %mul3A_219 : i32
          %add3A_221 = arith.constant 5 : i32
          %add3A_222 = arith.addi %mul3A_220, %add3A_221 : i32
          %mul3A_223 = arith.constant 16 : i32
          %mul3A_224 = arith.muli %add3A_222, %mul3A_223 : i32
          %get3A_225 = arith.index_cast %mul3A_224 : i32 to index
          %get3A_226 = tpu.vector_load %arg4[%get3A_225] {strides = array<i32>} : memref<16384xi32, #tpu.memory_space<vmem>>, vector<16xi32>,
          %mul3A_227 = arith.constant 8 : i32
          %mul3A_228 = arith.muli %scan3A_179, %mul3A_227 : i32
          %add3A_229 = arith.constant 6 : i32
          %add3A_230 = arith.addi %mul3A_228, %add3A_229 : i32
          %mul3A_231 = arith.constant 16 : i32
          %mul3A_232 = arith.muli %add3A_230, %mul3A_231 : i32
          %get3A_233 = arith.index_cast %mul3A_232 : i32 to index
          %get3A_234 = tpu.vector_load %arg4[%get3A_233] {strides = array<i32>} : memref<16384xi32, #tpu.memory_space<vmem>>, vector<16xi32>,
          %mul3A_235 = arith.constant 8 : i32
          %mul3A_236 = arith.muli %scan3A_179, %mul3A_235 : i32
          %add3A_237 = arith.constant 7 : i32
          %add3A_238 = arith.addi %mul3A_236, %add3A_237 : i32
          %mul3A_239 = arith.constant 16 : i32
          %mul3A_240 = arith.muli %add3A_238, %mul3A_239 : i32
          %get3A_241 = arith.index_cast %mul3A_240 : i32 to index
          %get3A_242 = tpu.vector_load %arg4[%get3A_241] {strides = array<i32>} : memref<16384xi32, #tpu.memory_space<vmem>>, vector<16xi32>,
          %and3A_243 = arith.constant 65535 : i32
          %and3A_244 = vector.broadcast %and3A_243 : i32 to vector<16xi32>
          %and3A_245 = arith.andi %get3A_186, %and3A_244 : vector<16xi32>
          %shift_right_logical3A = arith.constant 16 : i32
          %shift_right_logical3A_246 = vector.broadcast %shift_right_logical3A : i32 to vector<16xi32>
          %shift_right_logical3A_247 = arith.shrui %get3A_186, %shift_right_logical3A_246 : vector<16xi32>
          %and3A_248 = arith.constant 65535 : i32
          %and3A_249 = vector.broadcast %and3A_248 : i32 to vector<16xi32>
          %and3A_250 = arith.andi %get3A_194, %and3A_249 : vector<16xi32>
          %shift_right_logical3A_251 = arith.constant 16 : i32
          %shift_right_logical3A_252 = vector.broadcast %shift_right_logical3A_251 : i32 to vector<16xi32>
          %shift_right_logical3A_253 = arith.shrui %get3A_194, %shift_right_logical3A_252 : vector<16xi32>
          %and3A_254 = arith.constant 65535 : i32
          %and3A_255 = vector.broadcast %and3A_254 : i32 to vector<16xi32>
          %and3A_256 = arith.andi %get3A_202, %and3A_255 : vector<16xi32>
          %shift_right_logical3A_257 = arith.constant 16 : i32
          %shift_right_logical3A_258 = vector.broadcast %shift_right_logical3A_257 : i32 to vector<16xi32>
          %shift_right_logical3A_259 = arith.shrui %get3A_202, %shift_right_logical3A_258 : vector<16xi32>
          %and3A_260 = arith.constant 65535 : i32
          %and3A_261 = vector.broadcast %and3A_260 : i32 to vector<16xi32>
          %and3A_262 = arith.andi %get3A_210, %and3A_261 : vector<16xi32>
          %shift_right_logical3A_263 = arith.constant 16 : i32
          %shift_right_logical3A_264 = vector.broadcast %shift_right_logical3A_263 : i32 to vector<16xi32>
          %shift_right_logical3A_265 = arith.shrui %get3A_210, %shift_right_logical3A_264 : vector<16xi32>
          %and3A_266 = arith.constant 65535 : i32
          %and3A_267 = vector.broadcast %and3A_266 : i32 to vector<16xi32>
          %and3A_268 = arith.andi %get3A_218, %and3A_267 : vector<16xi32>
          %shift_right_logical3A_269 = arith.constant 16 : i32
          %shift_right_logical3A_270 = vector.broadcast %shift_right_logical3A_269 : i32 to vector<16xi32>
          %shift_right_logical3A_271 = arith.shrui %get3A_218, %shift_right_logical3A_270 : vector<16xi32>
          %and3A_272 = arith.constant 65535 : i32
          %and3A_273 = vector.broadcast %and3A_272 : i32 to vector<16xi32>
          %and3A_274 = arith.andi %get3A_226, %and3A_273 : vector<16xi32>
          %shift_right_logical3A_275 = arith.constant 16 : i32
          %shift_right_logical3A_276 = vector.broadcast %shift_right_logical3A_275 : i32 to vector<16xi32>
          %shift_right_logical3A_277 = arith.shrui %get3A_226, %shift_right_logical3A_276 : vector<16xi32>
          %and3A_278 = arith.constant 65535 : i32
          %and3A_279 = vector.broadcast %and3A_278 : i32 to vector<16xi32>
          %and3A_280 = arith.andi %get3A_234, %and3A_279 : vector<16xi32>
          %shift_right_logical3A_281 = arith.constant 16 : i32
          %shift_right_logical3A_282 = vector.broadcast %shift_right_logical3A_281 : i32 to vector<16xi32>
          %shift_right_logical3A_283 = arith.shrui %get3A_234, %shift_right_logical3A_282 : vector<16xi32>
          %and3A_284 = arith.constant 65535 : i32
          %and3A_285 = vector.broadcast %and3A_284 : i32 to vector<16xi32>
          %and3A_286 = arith.andi %get3A_242, %and3A_285 : vector<16xi32>
          %shift_right_logical3A_287 = arith.constant 16 : i32
          %shift_right_logical3A_288 = vector.broadcast %shift_right_logical3A_287 : i32 to vector<16xi32>
          %shift_right_logical3A_289 = arith.shrui %get3A_242, %shift_right_logical3A_288 : vector<16xi32>
          tpu.vector_store_idx %arg6[%and3A_245], %broadcast_in_dim3A_1 {add = true} : memref<16384xf32, #tpu.memory_space<vmem>>[vector<16xi32>], vector<16xf32>,
          tpu.vector_store_idx %arg6[%shift_right_logical3A_247], %broadcast_in_dim3A_1 {add = true} : memref<16384xf32, #tpu.memory_space<vmem>>[vector<16xi32>], vector<16xf32>,
          tpu.vector_store_idx %arg6[%and3A_250], %broadcast_in_dim3A_1 {add = true} : memref<16384xf32, #tpu.memory_space<vmem>>[vector<16xi32>], vector<16xf32>,
          tpu.vector_store_idx %arg6[%shift_right_logical3A_253], %broadcast_in_dim3A_1 {add = true} : memref<16384xf32, #tpu.memory_space<vmem>>[vector<16xi32>], vector<16xf32>,
          tpu.vector_store_idx %arg6[%and3A_256], %broadcast_in_dim3A_1 {add = true} : memref<16384xf32, #tpu.memory_space<vmem>>[vector<16xi32>], vector<16xf32>,
          tpu.vector_store_idx %arg6[%shift_right_logical3A_259], %broadcast_in_dim3A_1 {add = true} : memref<16384xf32, #tpu.memory_space<vmem>>[vector<16xi32>], vector<16xf32>,
          tpu.vector_store_idx %arg6[%and3A_262], %broadcast_in_dim3A_1 {add = true} : memref<16384xf32, #tpu.memory_space<vmem>>[vector<16xi32>], vector<16xf32>,
          tpu.vector_store_idx %arg6[%shift_right_logical3A_265], %broadcast_in_dim3A_1 {add = true} : memref<16384xf32, #tpu.memory_space<vmem>>[vector<16xi32>], vector<16xf32>,
          tpu.vector_store_idx %arg6[%and3A_268], %broadcast_in_dim3A_1 {add = true} : memref<16384xf32, #tpu.memory_space<vmem>>[vector<16xi32>], vector<16xf32>,
          tpu.vector_store_idx %arg6[%shift_right_logical3A_271], %broadcast_in_dim3A_1 {add = true} : memref<16384xf32, #tpu.memory_space<vmem>>[vector<16xi32>], vector<16xf32>,
          tpu.vector_store_idx %arg6[%and3A_274], %broadcast_in_dim3A_1 {add = true} : memref<16384xf32, #tpu.memory_space<vmem>>[vector<16xi32>], vector<16xf32>,
          tpu.vector_store_idx %arg6[%shift_right_logical3A_277], %broadcast_in_dim3A_1 {add = true} : memref<16384xf32, #tpu.memory_space<vmem>>[vector<16xi32>], vector<16xf32>,
          tpu.vector_store_idx %arg6[%and3A_280], %broadcast_in_dim3A_1 {add = true} : memref<16384xf32, #tpu.memory_space<vmem>>[vector<16xi32>], vector<16xf32>,
          tpu.vector_store_idx %arg6[%shift_right_logical3A_283], %broadcast_in_dim3A_1 {add = true} : memref<16384xf32, #tpu.memory_space<vmem>>[vector<16xi32>], vector<16xf32>,
          tpu.vector_store_idx %arg6[%and3A_286], %broadcast_in_dim3A_1 {add = true} : memref<16384xf32, #tpu.memory_space<vmem>>[vector<16xi32>], vector<16xf32>,
          tpu.vector_store_idx %arg6[%shift_right_logical3A_289], %broadcast_in_dim3A_1 {add = true} : memref<16384xf32, #tpu.memory_space<vmem>>[vector<16xi32>], vector<16xf32>,
        }
        %scan3A_178 = arith.constant 128 : i32
      } else {
      }
      %eq3A_131 = arith.constant 1 : i32
      %eq3A_132 = arith.cmpi eq, %select_n3A_107, %eq3A_131 : i32
      %convert_element_type3A_133 = arith.extui %eq3A_132 : i1 to i32
      %cond3A_134 = arith.constant 0 : i32
      %cond3A_135 = arith.cmpi ne, %convert_element_type3A_133, %cond3A_134 : i32
      scf.if %cond3A_135 {
        %mul3A_160 = arith.constant 21 : i32
        %mul3A_161 = arith.muli %select_n3A, %mul3A_160 : i32
        %add3A_162 = arith.addi %mul3A_161, %scan3A_91 : i32
        %mul3A_163 = arith.constant 131072 : i32
        %mul3A_164 = arith.muli %add3A_162, %mul3A_163 : i32
        %mul3A_165 = arith.constant 16384 : i32
        %mul3A_166 = arith.muli %select_n3A_38, %mul3A_165 : i32
        %add3A_167 = arith.addi %mul3A_164, %mul3A_166 : i32
        %dma_wait3A_168 = arith.constant 1 : i32
        %dma_wait3A_169 = tpu.memref_slice %arg2[%add3A_167] : memref<11010048xi32, #tpu.memory_space<hbm>> -> memref<16384xi32, #tpu.memory_space<hbm>>
        %dma_wait3A_170 = tpu.memref_slice %arg8[%dma_wait3A_168] : memref<2x!tpu.dma_semaphore, #tpu.memory_space<semaphore_mem>> -> memref<1x!tpu.dma_semaphore, #tpu.memory_space<semaphore_mem>>
        %dma_wait3A_171 = tpu.memref_squeeze %dma_wait3A_170 : memref<1x!tpu.dma_semaphore, #tpu.memory_space<semaphore_mem>> -> memref<!tpu.dma_semaphore, #tpu.memory_space<semaphore_mem>>
        %dma_wait3A_172 = tpu.memref_slice %arg2[%add3A_167] : memref<11010048xi32, #tpu.memory_space<hbm>> -> memref<16384xi32, #tpu.memory_space<hbm>>
        tpu.wait_dma2 semaphore(%dma_wait3A_171 : memref<!tpu.dma_semaphore, #tpu.memory_space<semaphore_mem>>) src(%dma_wait3A_172 : memref<16384xi32, #tpu.memory_space<hbm>>) dst(%arg5 : memref<16384xi32, #tpu.memory_space<vmem>>)
        %scan3A_173 = arith.constant 0 : i32
        %scan3A_174 = arith.constant 0 : i32
        %scan3A_175 = arith.constant 128 : i32
        %scan3A_176 = arith.addi %scan3A_174, %scan3A_175 : i32
        %scan3A_177 = arith.constant 1 : i32
        scf.for %scan3A_179 = %scan3A_174 to %scan3A_176 step %scan3A_177  : i32 {
          %mul3A_180 = arith.constant 8 : i32
          %mul3A_181 = arith.muli %scan3A_179, %mul3A_180 : i32
          %add3A_182 = arith.constant 0 : i32
          %add3A_183 = arith.addi %mul3A_181, %add3A_182 : i32
          %mul3A_184 = arith.constant 16 : i32
          %mul3A_185 = arith.muli %add3A_183, %mul3A_184 : i32
          %get3A = arith.index_cast %mul3A_185 : i32 to index
          %get3A_186 = tpu.vector_load %arg5[%get3A] {strides = array<i32>} : memref<16384xi32, #tpu.memory_space<vmem>>, vector<16xi32>,
          %mul3A_187 = arith.constant 8 : i32
          %mul3A_188 = arith.muli %scan3A_179, %mul3A_187 : i32
          %add3A_189 = arith.constant 1 : i32
          %add3A_190 = arith.addi %mul3A_188, %add3A_189 : i32
          %mul3A_191 = arith.constant 16 : i32
          %mul3A_192 = arith.muli %add3A_190, %mul3A_191 : i32
          %get3A_193 = arith.index_cast %mul3A_192 : i32 to index
          %get3A_194 = tpu.vector_load %arg5[%get3A_193] {strides = array<i32>} : memref<16384xi32, #tpu.memory_space<vmem>>, vector<16xi32>,
          %mul3A_195 = arith.constant 8 : i32
          %mul3A_196 = arith.muli %scan3A_179, %mul3A_195 : i32
          %add3A_197 = arith.constant 2 : i32
          %add3A_198 = arith.addi %mul3A_196, %add3A_197 : i32
          %mul3A_199 = arith.constant 16 : i32
          %mul3A_200 = arith.muli %add3A_198, %mul3A_199 : i32
          %get3A_201 = arith.index_cast %mul3A_200 : i32 to index
          %get3A_202 = tpu.vector_load %arg5[%get3A_201] {strides = array<i32>} : memref<16384xi32, #tpu.memory_space<vmem>>, vector<16xi32>,
          %mul3A_203 = arith.constant 8 : i32
          %mul3A_204 = arith.muli %scan3A_179, %mul3A_203 : i32
          %add3A_205 = arith.constant 3 : i32
          %add3A_206 = arith.addi %mul3A_204, %add3A_205 : i32
          %mul3A_207 = arith.constant 16 : i32
          %mul3A_208 = arith.muli %add3A_206, %mul3A_207 : i32
          %get3A_209 = arith.index_cast %mul3A_208 : i32 to index
          %get3A_210 = tpu.vector_load %arg5[%get3A_209] {strides = array<i32>} : memref<16384xi32, #tpu.memory_space<vmem>>, vector<16xi32>,
          %mul3A_211 = arith.constant 8 : i32
          %mul3A_212 = arith.muli %scan3A_179, %mul3A_211 : i32
          %add3A_213 = arith.constant 4 : i32
          %add3A_214 = arith.addi %mul3A_212, %add3A_213 : i32
          %mul3A_215 = arith.constant 16 : i32
          %mul3A_216 = arith.muli %add3A_214, %mul3A_215 : i32
          %get3A_217 = arith.index_cast %mul3A_216 : i32 to index
          %get3A_218 = tpu.vector_load %arg5[%get3A_217] {strides = array<i32>} : memref<16384xi32, #tpu.memory_space<vmem>>, vector<16xi32>,
          %mul3A_219 = arith.constant 8 : i32
          %mul3A_220 = arith.muli %scan3A_179, %mul3A_219 : i32
          %add3A_221 = arith.constant 5 : i32
          %add3A_222 = arith.addi %mul3A_220, %add3A_221 : i32
          %mul3A_223 = arith.constant 16 : i32
          %mul3A_224 = arith.muli %add3A_222, %mul3A_223 : i32
          %get3A_225 = arith.index_cast %mul3A_224 : i32 to index
          %get3A_226 = tpu.vector_load %arg5[%get3A_225] {strides = array<i32>} : memref<16384xi32, #tpu.memory_space<vmem>>, vector<16xi32>,
          %mul3A_227 = arith.constant 8 : i32
          %mul3A_228 = arith.muli %scan3A_179, %mul3A_227 : i32
          %add3A_229 = arith.constant 6 : i32
          %add3A_230 = arith.addi %mul3A_228, %add3A_229 : i32
          %mul3A_231 = arith.constant 16 : i32
          %mul3A_232 = arith.muli %add3A_230, %mul3A_231 : i32
          %get3A_233 = arith.index_cast %mul3A_232 : i32 to index
          %get3A_234 = tpu.vector_load %arg5[%get3A_233] {strides = array<i32>} : memref<16384xi32, #tpu.memory_space<vmem>>, vector<16xi32>,
          %mul3A_235 = arith.constant 8 : i32
          %mul3A_236 = arith.muli %scan3A_179, %mul3A_235 : i32
          %add3A_237 = arith.constant 7 : i32
          %add3A_238 = arith.addi %mul3A_236, %add3A_237 : i32
          %mul3A_239 = arith.constant 16 : i32
          %mul3A_240 = arith.muli %add3A_238, %mul3A_239 : i32
          %get3A_241 = arith.index_cast %mul3A_240 : i32 to index
          %get3A_242 = tpu.vector_load %arg5[%get3A_241] {strides = array<i32>} : memref<16384xi32, #tpu.memory_space<vmem>>, vector<16xi32>,
          %and3A_243 = arith.constant 65535 : i32
          %and3A_244 = vector.broadcast %and3A_243 : i32 to vector<16xi32>
          %and3A_245 = arith.andi %get3A_186, %and3A_244 : vector<16xi32>
          %shift_right_logical3A = arith.constant 16 : i32
          %shift_right_logical3A_246 = vector.broadcast %shift_right_logical3A : i32 to vector<16xi32>
          %shift_right_logical3A_247 = arith.shrui %get3A_186, %shift_right_logical3A_246 : vector<16xi32>
          %and3A_248 = arith.constant 65535 : i32
          %and3A_249 = vector.broadcast %and3A_248 : i32 to vector<16xi32>
          %and3A_250 = arith.andi %get3A_194, %and3A_249 : vector<16xi32>
          %shift_right_logical3A_251 = arith.constant 16 : i32
          %shift_right_logical3A_252 = vector.broadcast %shift_right_logical3A_251 : i32 to vector<16xi32>
          %shift_right_logical3A_253 = arith.shrui %get3A_194, %shift_right_logical3A_252 : vector<16xi32>
          %and3A_254 = arith.constant 65535 : i32
          %and3A_255 = vector.broadcast %and3A_254 : i32 to vector<16xi32>
          %and3A_256 = arith.andi %get3A_202, %and3A_255 : vector<16xi32>
          %shift_right_logical3A_257 = arith.constant 16 : i32
          %shift_right_logical3A_258 = vector.broadcast %shift_right_logical3A_257 : i32 to vector<16xi32>
          %shift_right_logical3A_259 = arith.shrui %get3A_202, %shift_right_logical3A_258 : vector<16xi32>
          %and3A_260 = arith.constant 65535 : i32
          %and3A_261 = vector.broadcast %and3A_260 : i32 to vector<16xi32>
          %and3A_262 = arith.andi %get3A_210, %and3A_261 : vector<16xi32>
          %shift_right_logical3A_263 = arith.constant 16 : i32
          %shift_right_logical3A_264 = vector.broadcast %shift_right_logical3A_263 : i32 to vector<16xi32>
          %shift_right_logical3A_265 = arith.shrui %get3A_210, %shift_right_logical3A_264 : vector<16xi32>
          %and3A_266 = arith.constant 65535 : i32
          %and3A_267 = vector.broadcast %and3A_266 : i32 to vector<16xi32>
          %and3A_268 = arith.andi %get3A_218, %and3A_267 : vector<16xi32>
          %shift_right_logical3A_269 = arith.constant 16 : i32
          %shift_right_logical3A_270 = vector.broadcast %shift_right_logical3A_269 : i32 to vector<16xi32>
          %shift_right_logical3A_271 = arith.shrui %get3A_218, %shift_right_logical3A_270 : vector<16xi32>
          %and3A_272 = arith.constant 65535 : i32
          %and3A_273 = vector.broadcast %and3A_272 : i32 to vector<16xi32>
          %and3A_274 = arith.andi %get3A_226, %and3A_273 : vector<16xi32>
          %shift_right_logical3A_275 = arith.constant 16 : i32
          %shift_right_logical3A_276 = vector.broadcast %shift_right_logical3A_275 : i32 to vector<16xi32>
          %shift_right_logical3A_277 = arith.shrui %get3A_226, %shift_right_logical3A_276 : vector<16xi32>
          %and3A_278 = arith.constant 65535 : i32
          %and3A_279 = vector.broadcast %and3A_278 : i32 to vector<16xi32>
          %and3A_280 = arith.andi %get3A_234, %and3A_279 : vector<16xi32>
          %shift_right_logical3A_281 = arith.constant 16 : i32
          %shift_right_logical3A_282 = vector.broadcast %shift_right_logical3A_281 : i32 to vector<16xi32>
          %shift_right_logical3A_283 = arith.shrui %get3A_234, %shift_right_logical3A_282 : vector<16xi32>
          %and3A_284 = arith.constant 65535 : i32
          %and3A_285 = vector.broadcast %and3A_284 : i32 to vector<16xi32>
          %and3A_286 = arith.andi %get3A_242, %and3A_285 : vector<16xi32>
          %shift_right_logical3A_287 = arith.constant 16 : i32
          %shift_right_logical3A_288 = vector.broadcast %shift_right_logical3A_287 : i32 to vector<16xi32>
          %shift_right_logical3A_289 = arith.shrui %get3A_242, %shift_right_logical3A_288 : vector<16xi32>
          tpu.vector_store_idx %arg6[%and3A_245], %broadcast_in_dim3A_1 {add = true} : memref<16384xf32, #tpu.memory_space<vmem>>[vector<16xi32>], vector<16xf32>,
          tpu.vector_store_idx %arg6[%shift_right_logical3A_247], %broadcast_in_dim3A_1 {add = true} : memref<16384xf32, #tpu.memory_space<vmem>>[vector<16xi32>], vector<16xf32>,
          tpu.vector_store_idx %arg6[%and3A_250], %broadcast_in_dim3A_1 {add = true} : memref<16384xf32, #tpu.memory_space<vmem>>[vector<16xi32>], vector<16xf32>,
          tpu.vector_store_idx %arg6[%shift_right_logical3A_253], %broadcast_in_dim3A_1 {add = true} : memref<16384xf32, #tpu.memory_space<vmem>>[vector<16xi32>], vector<16xf32>,
          tpu.vector_store_idx %arg6[%and3A_256], %broadcast_in_dim3A_1 {add = true} : memref<16384xf32, #tpu.memory_space<vmem>>[vector<16xi32>], vector<16xf32>,
          tpu.vector_store_idx %arg6[%shift_right_logical3A_259], %broadcast_in_dim3A_1 {add = true} : memref<16384xf32, #tpu.memory_space<vmem>>[vector<16xi32>], vector<16xf32>,
          tpu.vector_store_idx %arg6[%and3A_262], %broadcast_in_dim3A_1 {add = true} : memref<16384xf32, #tpu.memory_space<vmem>>[vector<16xi32>], vector<16xf32>,
          tpu.vector_store_idx %arg6[%shift_right_logical3A_265], %broadcast_in_dim3A_1 {add = true} : memref<16384xf32, #tpu.memory_space<vmem>>[vector<16xi32>], vector<16xf32>,
          tpu.vector_store_idx %arg6[%and3A_268], %broadcast_in_dim3A_1 {add = true} : memref<16384xf32, #tpu.memory_space<vmem>>[vector<16xi32>], vector<16xf32>,
          tpu.vector_store_idx %arg6[%shift_right_logical3A_271], %broadcast_in_dim3A_1 {add = true} : memref<16384xf32, #tpu.memory_space<vmem>>[vector<16xi32>], vector<16xf32>,
          tpu.vector_store_idx %arg6[%and3A_274], %broadcast_in_dim3A_1 {add = true} : memref<16384xf32, #tpu.memory_space<vmem>>[vector<16xi32>], vector<16xf32>,
          tpu.vector_store_idx %arg6[%shift_right_logical3A_277], %broadcast_in_dim3A_1 {add = true} : memref<16384xf32, #tpu.memory_space<vmem>>[vector<16xi32>], vector<16xf32>,
          tpu.vector_store_idx %arg6[%and3A_280], %broadcast_in_dim3A_1 {add = true} : memref<16384xf32, #tpu.memory_space<vmem>>[vector<16xi32>], vector<16xf32>,
          tpu.vector_store_idx %arg6[%shift_right_logical3A_283], %broadcast_in_dim3A_1 {add = true} : memref<16384xf32, #tpu.memory_space<vmem>>[vector<16xi32>], vector<16xf32>,
          tpu.vector_store_idx %arg6[%and3A_286], %broadcast_in_dim3A_1 {add = true} : memref<16384xf32, #tpu.memory_space<vmem>>[vector<16xi32>], vector<16xf32>,
          tpu.vector_store_idx %arg6[%shift_right_logical3A_289], %broadcast_in_dim3A_1 {add = true} : memref<16384xf32, #tpu.memory_space<vmem>>[vector<16xi32>], vector<16xf32>,
        }
        %scan3A_178 = arith.constant 128 : i32
      } else {
      }
      %ge3A = arith.constant 2 : i32
      %ge3A_136 = arith.cmpi sge, %scan3A_91, %ge3A : i32
      %convert_element_type3A_137 = arith.extui %ge3A_136 : i1 to i32
      %cond3A_138 = arith.constant 0 : i32
      %cond3A_139 = arith.cmpi ne, %convert_element_type3A_137, %cond3A_138 : i32
      scf.if %cond3A_139 {
        %sub3A_160 = arith.constant 2 : i32
        %sub3A_161 = arith.subi %scan3A_91, %sub3A_160 : i32
        %dma_wait3A_162 = arith.constant 0 : i32
        %dma_wait3A_163 = tpu.memref_slice %arg7[%select_n3A_107, %dma_wait3A_162] : memref<2x1024xf32, #tpu.memory_space<vmem>> -> memref<1x1024xf32, #tpu.memory_space<vmem>>
        %dma_wait3A_164 = tpu.memref_squeeze %dma_wait3A_163 : memref<1x1024xf32, #tpu.memory_space<vmem>> -> memref<1024xf32, #tpu.memory_space<vmem>>
        %dma_wait3A_165 = arith.constant 0 : i32
        %dma_wait3A_166 = tpu.memref_slice %arg3[%sub3A_161, %add3A, %dma_wait3A_165] : memref<21x32x1024xf32, #tpu.memory_space<hbm>> -> memref<1x1x1024xf32, #tpu.memory_space<hbm>>
        %dma_wait3A_167 = tpu.memref_squeeze %dma_wait3A_166 : memref<1x1x1024xf32, #tpu.memory_space<hbm>> -> memref<1024xf32, #tpu.memory_space<hbm>>
        %dma_wait3A_168 = tpu.memref_slice %arg9[%select_n3A_107] : memref<2x!tpu.dma_semaphore, #tpu.memory_space<semaphore_mem>> -> memref<1x!tpu.dma_semaphore, #tpu.memory_space<semaphore_mem>>
        %dma_wait3A_169 = tpu.memref_squeeze %dma_wait3A_168 : memref<1x!tpu.dma_semaphore, #tpu.memory_space<semaphore_mem>> -> memref<!tpu.dma_semaphore, #tpu.memory_space<semaphore_mem>>
        %dma_wait3A_170 = arith.constant 0 : i32
        %dma_wait3A_171 = tpu.memref_slice %arg3[%sub3A_161, %add3A, %dma_wait3A_170] : memref<21x32x1024xf32, #tpu.memory_space<hbm>> -> memref<1x1x1024xf32, #tpu.memory_space<hbm>>
        %dma_wait3A_172 = tpu.memref_squeeze %dma_wait3A_171 : memref<1x1x1024xf32, #tpu.memory_space<hbm>> -> memref<1024xf32, #tpu.memory_space<hbm>>
        %dma_wait3A_173 = arith.constant 0 : i32
        %dma_wait3A_174 = tpu.memref_slice %arg7[%select_n3A_107, %dma_wait3A_173] : memref<2x1024xf32, #tpu.memory_space<vmem>> -> memref<1x1024xf32, #tpu.memory_space<vmem>>
        %dma_wait3A_175 = tpu.memref_squeeze %dma_wait3A_174 : memref<1x1024xf32, #tpu.memory_space<vmem>> -> memref<1024xf32, #tpu.memory_space<vmem>>
        tpu.wait_dma2 semaphore(%dma_wait3A_169 : memref<!tpu.dma_semaphore, #tpu.memory_space<semaphore_mem>>) src(%dma_wait3A_175 : memref<1024xf32, #tpu.memory_space<vmem>>) dst(%dma_wait3A_172 : memref<1024xf32, #tpu.memory_space<hbm>>)
      } else {
      }
      %scan3A_140 = arith.constant 0 : i32
      %scan3A_141 = arith.constant 0 : i32
      %scan3A_142 = arith.constant 64 : i32
      %scan3A_143 = arith.addi %scan3A_141, %scan3A_142 : i32
      %scan3A_144 = arith.constant 1 : i32
      scf.for %scan3A_160 = %scan3A_141 to %scan3A_143 step %scan3A_144  : i32 {
        %mul3A_161 = arith.constant 16 : i32
        %mul3A_162 = arith.muli %scan3A_160, %mul3A_161 : i32
        %get3A = arith.index_cast %mul3A_162 : i32 to index
        %get3A_163 = tpu.vector_load %arg6[%get3A] {strides = array<i32>} : memref<16384xf32, #tpu.memory_space<vmem>>, vector<16xf32>,
        %swap3A = arith.index_cast %mul3A_162 : i32 to index
        %swap3A_164 = tpu.vector_load %arg6[%swap3A] {strides = array<i32>} : memref<16384xf32, #tpu.memory_space<vmem>>, vector<16xf32>,
        tpu.vector_store %arg6[%swap3A], %broadcast_in_dim3A_3 {strides = array<i32>} : memref<16384xf32, #tpu.memory_space<vmem>>, vector<16xf32>,
        %add3A_165 = arith.constant 1024 : i32
        %add3A_166 = arith.addi %add3A_165, %mul3A_162 : i32
        %get3A_167 = arith.index_cast %add3A_166 : i32 to index
        %get3A_168 = tpu.vector_load %arg6[%get3A_167] {strides = array<i32>} : memref<16384xf32, #tpu.memory_space<vmem>>, vector<16xf32>,
        %add3A_169 = arith.addf %get3A_163, %get3A_168 : vector<16xf32>
        %add3A_170 = arith.constant 1024 : i32
        %add3A_171 = arith.addi %add3A_170, %mul3A_162 : i32
        %swap3A_172 = arith.index_cast %add3A_171 : i32 to index
        %swap3A_173 = tpu.vector_load %arg6[%swap3A_172] {strides = array<i32>} : memref<16384xf32, #tpu.memory_space<vmem>>, vector<16xf32>,
        tpu.vector_store %arg6[%swap3A_172], %broadcast_in_dim3A_3 {strides = array<i32>} : memref<16384xf32, #tpu.memory_space<vmem>>, vector<16xf32>,
        %add3A_174 = arith.constant 2048 : i32
        %add3A_175 = arith.addi %add3A_174, %mul3A_162 : i32
        %get3A_176 = arith.index_cast %add3A_175 : i32 to index
        %get3A_177 = tpu.vector_load %arg6[%get3A_176] {strides = array<i32>} : memref<16384xf32, #tpu.memory_space<vmem>>, vector<16xf32>,
        %add3A_178 = arith.addf %add3A_169, %get3A_177 : vector<16xf32>
        %add3A_179 = arith.constant 2048 : i32
        %add3A_180 = arith.addi %add3A_179, %mul3A_162 : i32
        %swap3A_181 = arith.index_cast %add3A_180 : i32 to index
        %swap3A_182 = tpu.vector_load %arg6[%swap3A_181] {strides = array<i32>} : memref<16384xf32, #tpu.memory_space<vmem>>, vector<16xf32>,
        tpu.vector_store %arg6[%swap3A_181], %broadcast_in_dim3A_3 {strides = array<i32>} : memref<16384xf32, #tpu.memory_space<vmem>>, vector<16xf32>,
        %add3A_183 = arith.constant 3072 : i32
        %add3A_184 = arith.addi %add3A_183, %mul3A_162 : i32
        %get3A_185 = arith.index_cast %add3A_184 : i32 to index
        %get3A_186 = tpu.vector_load %arg6[%get3A_185] {strides = array<i32>} : memref<16384xf32, #tpu.memory_space<vmem>>, vector<16xf32>,
        %add3A_187 = arith.addf %add3A_178, %get3A_186 : vector<16xf32>
        %add3A_188 = arith.constant 3072 : i32
        %add3A_189 = arith.addi %add3A_188, %mul3A_162 : i32
        %swap3A_190 = arith.index_cast %add3A_189 : i32 to index
        %swap3A_191 = tpu.vector_load %arg6[%swap3A_190] {strides = array<i32>} : memref<16384xf32, #tpu.memory_space<vmem>>, vector<16xf32>,
        tpu.vector_store %arg6[%swap3A_190], %broadcast_in_dim3A_3 {strides = array<i32>} : memref<16384xf32, #tpu.memory_space<vmem>>, vector<16xf32>,
        %add3A_192 = arith.constant 4096 : i32
        %add3A_193 = arith.addi %add3A_192, %mul3A_162 : i32
        %get3A_194 = arith.index_cast %add3A_193 : i32 to index
        %get3A_195 = tpu.vector_load %arg6[%get3A_194] {strides = array<i32>} : memref<16384xf32, #tpu.memory_space<vmem>>, vector<16xf32>,
        %add3A_196 = arith.addf %add3A_187, %get3A_195 : vector<16xf32>
        %add3A_197 = arith.constant 4096 : i32
        %add3A_198 = arith.addi %add3A_197, %mul3A_162 : i32
        %swap3A_199 = arith.index_cast %add3A_198 : i32 to index
        %swap3A_200 = tpu.vector_load %arg6[%swap3A_199] {strides = array<i32>} : memref<16384xf32, #tpu.memory_space<vmem>>, vector<16xf32>,
        tpu.vector_store %arg6[%swap3A_199], %broadcast_in_dim3A_3 {strides = array<i32>} : memref<16384xf32, #tpu.memory_space<vmem>>, vector<16xf32>,
        %add3A_201 = arith.constant 5120 : i32
        %add3A_202 = arith.addi %add3A_201, %mul3A_162 : i32
        %get3A_203 = arith.index_cast %add3A_202 : i32 to index
        %get3A_204 = tpu.vector_load %arg6[%get3A_203] {strides = array<i32>} : memref<16384xf32, #tpu.memory_space<vmem>>, vector<16xf32>,
        %add3A_205 = arith.addf %add3A_196, %get3A_204 : vector<16xf32>
        %add3A_206 = arith.constant 5120 : i32
        %add3A_207 = arith.addi %add3A_206, %mul3A_162 : i32
        %swap3A_208 = arith.index_cast %add3A_207 : i32 to index
        %swap3A_209 = tpu.vector_load %arg6[%swap3A_208] {strides = array<i32>} : memref<16384xf32, #tpu.memory_space<vmem>>, vector<16xf32>,
        tpu.vector_store %arg6[%swap3A_208], %broadcast_in_dim3A_3 {strides = array<i32>} : memref<16384xf32, #tpu.memory_space<vmem>>, vector<16xf32>,
        %add3A_210 = arith.constant 6144 : i32
        %add3A_211 = arith.addi %add3A_210, %mul3A_162 : i32
        %get3A_212 = arith.index_cast %add3A_211 : i32 to index
        %get3A_213 = tpu.vector_load %arg6[%get3A_212] {strides = array<i32>} : memref<16384xf32, #tpu.memory_space<vmem>>, vector<16xf32>,
        %add3A_214 = arith.addf %add3A_205, %get3A_213 : vector<16xf32>
        %add3A_215 = arith.constant 6144 : i32
        %add3A_216 = arith.addi %add3A_215, %mul3A_162 : i32
        %swap3A_217 = arith.index_cast %add3A_216 : i32 to index
        %swap3A_218 = tpu.vector_load %arg6[%swap3A_217] {strides = array<i32>} : memref<16384xf32, #tpu.memory_space<vmem>>, vector<16xf32>,
        tpu.vector_store %arg6[%swap3A_217], %broadcast_in_dim3A_3 {strides = array<i32>} : memref<16384xf32, #tpu.memory_space<vmem>>, vector<16xf32>,
        %add3A_219 = arith.constant 7168 : i32
        %add3A_220 = arith.addi %add3A_219, %mul3A_162 : i32
        %get3A_221 = arith.index_cast %add3A_220 : i32 to index
        %get3A_222 = tpu.vector_load %arg6[%get3A_221] {strides = array<i32>} : memref<16384xf32, #tpu.memory_space<vmem>>, vector<16xf32>,
        %add3A_223 = arith.addf %add3A_214, %get3A_222 : vector<16xf32>
        %add3A_224 = arith.constant 7168 : i32
        %add3A_225 = arith.addi %add3A_224, %mul3A_162 : i32
        %swap3A_226 = arith.index_cast %add3A_225 : i32 to index
        %swap3A_227 = tpu.vector_load %arg6[%swap3A_226] {strides = array<i32>} : memref<16384xf32, #tpu.memory_space<vmem>>, vector<16xf32>,
        tpu.vector_store %arg6[%swap3A_226], %broadcast_in_dim3A_3 {strides = array<i32>} : memref<16384xf32, #tpu.memory_space<vmem>>, vector<16xf32>,
        %add3A_228 = arith.constant 8192 : i32
        %add3A_229 = arith.addi %add3A_228, %mul3A_162 : i32
        %get3A_230 = arith.index_cast %add3A_229 : i32 to index
        %get3A_231 = tpu.vector_load %arg6[%get3A_230] {strides = array<i32>} : memref<16384xf32, #tpu.memory_space<vmem>>, vector<16xf32>,
        %add3A_232 = arith.addf %add3A_223, %get3A_231 : vector<16xf32>
        %add3A_233 = arith.constant 8192 : i32
        %add3A_234 = arith.addi %add3A_233, %mul3A_162 : i32
        %swap3A_235 = arith.index_cast %add3A_234 : i32 to index
        %swap3A_236 = tpu.vector_load %arg6[%swap3A_235] {strides = array<i32>} : memref<16384xf32, #tpu.memory_space<vmem>>, vector<16xf32>,
        tpu.vector_store %arg6[%swap3A_235], %broadcast_in_dim3A_3 {strides = array<i32>} : memref<16384xf32, #tpu.memory_space<vmem>>, vector<16xf32>,
        %add3A_237 = arith.constant 9216 : i32
        %add3A_238 = arith.addi %add3A_237, %mul3A_162 : i32
        %get3A_239 = arith.index_cast %add3A_238 : i32 to index
        %get3A_240 = tpu.vector_load %arg6[%get3A_239] {strides = array<i32>} : memref<16384xf32, #tpu.memory_space<vmem>>, vector<16xf32>,
        %add3A_241 = arith.addf %add3A_232, %get3A_240 : vector<16xf32>
        %add3A_242 = arith.constant 9216 : i32
        %add3A_243 = arith.addi %add3A_242, %mul3A_162 : i32
        %swap3A_244 = arith.index_cast %add3A_243 : i32 to index
        %swap3A_245 = tpu.vector_load %arg6[%swap3A_244] {strides = array<i32>} : memref<16384xf32, #tpu.memory_space<vmem>>, vector<16xf32>,
        tpu.vector_store %arg6[%swap3A_244], %broadcast_in_dim3A_3 {strides = array<i32>} : memref<16384xf32, #tpu.memory_space<vmem>>, vector<16xf32>,
        %add3A_246 = arith.constant 10240 : i32
        %add3A_247 = arith.addi %add3A_246, %mul3A_162 : i32
        %get3A_248 = arith.index_cast %add3A_247 : i32 to index
        %get3A_249 = tpu.vector_load %arg6[%get3A_248] {strides = array<i32>} : memref<16384xf32, #tpu.memory_space<vmem>>, vector<16xf32>,
        %add3A_250 = arith.addf %add3A_241, %get3A_249 : vector<16xf32>
        %add3A_251 = arith.constant 10240 : i32
        %add3A_252 = arith.addi %add3A_251, %mul3A_162 : i32
        %swap3A_253 = arith.index_cast %add3A_252 : i32 to index
        %swap3A_254 = tpu.vector_load %arg6[%swap3A_253] {strides = array<i32>} : memref<16384xf32, #tpu.memory_space<vmem>>, vector<16xf32>,
        tpu.vector_store %arg6[%swap3A_253], %broadcast_in_dim3A_3 {strides = array<i32>} : memref<16384xf32, #tpu.memory_space<vmem>>, vector<16xf32>,
        %add3A_255 = arith.constant 11264 : i32
        %add3A_256 = arith.addi %add3A_255, %mul3A_162 : i32
        %get3A_257 = arith.index_cast %add3A_256 : i32 to index
        %get3A_258 = tpu.vector_load %arg6[%get3A_257] {strides = array<i32>} : memref<16384xf32, #tpu.memory_space<vmem>>, vector<16xf32>,
        %add3A_259 = arith.addf %add3A_250, %get3A_258 : vector<16xf32>
        %add3A_260 = arith.constant 11264 : i32
        %add3A_261 = arith.addi %add3A_260, %mul3A_162 : i32
        %swap3A_262 = arith.index_cast %add3A_261 : i32 to index
        %swap3A_263 = tpu.vector_load %arg6[%swap3A_262] {strides = array<i32>} : memref<16384xf32, #tpu.memory_space<vmem>>, vector<16xf32>,
        tpu.vector_store %arg6[%swap3A_262], %broadcast_in_dim3A_3 {strides = array<i32>} : memref<16384xf32, #tpu.memory_space<vmem>>, vector<16xf32>,
        %add3A_264 = arith.constant 12288 : i32
        %add3A_265 = arith.addi %add3A_264, %mul3A_162 : i32
        %get3A_266 = arith.index_cast %add3A_265 : i32 to index
        %get3A_267 = tpu.vector_load %arg6[%get3A_266] {strides = array<i32>} : memref<16384xf32, #tpu.memory_space<vmem>>, vector<16xf32>,
        %add3A_268 = arith.addf %add3A_259, %get3A_267 : vector<16xf32>
        %add3A_269 = arith.constant 12288 : i32
        %add3A_270 = arith.addi %add3A_269, %mul3A_162 : i32
        %swap3A_271 = arith.index_cast %add3A_270 : i32 to index
        %swap3A_272 = tpu.vector_load %arg6[%swap3A_271] {strides = array<i32>} : memref<16384xf32, #tpu.memory_space<vmem>>, vector<16xf32>,
        tpu.vector_store %arg6[%swap3A_271], %broadcast_in_dim3A_3 {strides = array<i32>} : memref<16384xf32, #tpu.memory_space<vmem>>, vector<16xf32>,
        %add3A_273 = arith.constant 13312 : i32
        %add3A_274 = arith.addi %add3A_273, %mul3A_162 : i32
        %get3A_275 = arith.index_cast %add3A_274 : i32 to index
        %get3A_276 = tpu.vector_load %arg6[%get3A_275] {strides = array<i32>} : memref<16384xf32, #tpu.memory_space<vmem>>, vector<16xf32>,
        %add3A_277 = arith.addf %add3A_268, %get3A_276 : vector<16xf32>
        %add3A_278 = arith.constant 13312 : i32
        %add3A_279 = arith.addi %add3A_278, %mul3A_162 : i32
        %swap3A_280 = arith.index_cast %add3A_279 : i32 to index
        %swap3A_281 = tpu.vector_load %arg6[%swap3A_280] {strides = array<i32>} : memref<16384xf32, #tpu.memory_space<vmem>>, vector<16xf32>,
        tpu.vector_store %arg6[%swap3A_280], %broadcast_in_dim3A_3 {strides = array<i32>} : memref<16384xf32, #tpu.memory_space<vmem>>, vector<16xf32>,
        %add3A_282 = arith.constant 14336 : i32
        %add3A_283 = arith.addi %add3A_282, %mul3A_162 : i32
        %get3A_284 = arith.index_cast %add3A_283 : i32 to index
        %get3A_285 = tpu.vector_load %arg6[%get3A_284] {strides = array<i32>} : memref<16384xf32, #tpu.memory_space<vmem>>, vector<16xf32>,
        %add3A_286 = arith.addf %add3A_277, %get3A_285 : vector<16xf32>
        %add3A_287 = arith.constant 14336 : i32
        %add3A_288 = arith.addi %add3A_287, %mul3A_162 : i32
        %swap3A_289 = arith.index_cast %add3A_288 : i32 to index
        %swap3A_290 = tpu.vector_load %arg6[%swap3A_289] {strides = array<i32>} : memref<16384xf32, #tpu.memory_space<vmem>>, vector<16xf32>,
        tpu.vector_store %arg6[%swap3A_289], %broadcast_in_dim3A_3 {strides = array<i32>} : memref<16384xf32, #tpu.memory_space<vmem>>, vector<16xf32>,
        %add3A_291 = arith.constant 15360 : i32
        %add3A_292 = arith.addi %add3A_291, %mul3A_162 : i32
        %get3A_293 = arith.index_cast %add3A_292 : i32 to index
        %get3A_294 = tpu.vector_load %arg6[%get3A_293] {strides = array<i32>} : memref<16384xf32, #tpu.memory_space<vmem>>, vector<16xf32>,
        %add3A_295 = arith.addf %add3A_286, %get3A_294 : vector<16xf32>
        %add3A_296 = arith.constant 15360 : i32
        %add3A_297 = arith.addi %add3A_296, %mul3A_162 : i32
        %swap3A_298 = arith.index_cast %add3A_297 : i32 to index
        %swap3A_299 = tpu.vector_load %arg6[%swap3A_298] {strides = array<i32>} : memref<16384xf32, #tpu.memory_space<vmem>>, vector<16xf32>,
        tpu.vector_store %arg6[%swap3A_298], %broadcast_in_dim3A_3 {strides = array<i32>} : memref<16384xf32, #tpu.memory_space<vmem>>, vector<16xf32>,
        %swap3A_300 = arith.index_cast %select_n3A_107 : i32 to index
        %swap3A_301 = arith.index_cast %mul3A_162 : i32 to index
        %swap3A_302 = tpu.vector_load %arg7[%swap3A_300, %swap3A_301] {strides = array<i32>} : memref<2x1024xf32, #tpu.memory_space<vmem>>, vector<16xf32>,
        tpu.vector_store %arg7[%swap3A_300, %swap3A_301], %add3A_295 {strides = array<i32>} : memref<2x1024xf32, #tpu.memory_space<vmem>>, vector<16xf32>,
      }
      %scan3A_145 = arith.constant 64 : i32
      %dma_start3A_146 = arith.constant 0 : i32
      %dma_start3A_147 = tpu.memref_slice %arg7[%select_n3A_107, %dma_start3A_146] : memref<2x1024xf32, #tpu.memory_space<vmem>> -> memref<1x1024xf32, #tpu.memory_space<vmem>>
      %dma_start3A_148 = tpu.memref_squeeze %dma_start3A_147 : memref<1x1024xf32, #tpu.memory_space<vmem>> -> memref<1024xf32, #tpu.memory_space<vmem>>
      %dma_start3A_149 = arith.constant 0 : i32
      %dma_start3A_150 = tpu.memref_slice %arg3[%scan3A_91, %add3A, %dma_start3A_149] : memref<21x32x1024xf32, #tpu.memory_space<hbm>> -> memref<1x1x1024xf32, #tpu.memory_space<hbm>>
      %dma_start3A_151 = tpu.memref_squeeze %dma_start3A_150 : memref<1x1x1024xf32, #tpu.memory_space<hbm>> -> memref<1024xf32, #tpu.memory_space<hbm>>
      %dma_start3A_152 = tpu.memref_slice %arg9[%select_n3A_107] : memref<2x!tpu.dma_semaphore, #tpu.memory_space<semaphore_mem>> -> memref<1x!tpu.dma_semaphore, #tpu.memory_space<semaphore_mem>>
      %dma_start3A_153 = tpu.memref_squeeze %dma_start3A_152 : memref<1x!tpu.dma_semaphore, #tpu.memory_space<semaphore_mem>> -> memref<!tpu.dma_semaphore, #tpu.memory_space<semaphore_mem>>
      %dma_start3A_154 = arith.constant 0 : i32
      %dma_start3A_155 = tpu.memref_slice %arg3[%scan3A_91, %add3A, %dma_start3A_154] : memref<21x32x1024xf32, #tpu.memory_space<hbm>> -> memref<1x1x1024xf32, #tpu.memory_space<hbm>>
      %dma_start3A_156 = tpu.memref_squeeze %dma_start3A_155 : memref<1x1x1024xf32, #tpu.memory_space<hbm>> -> memref<1024xf32, #tpu.memory_space<hbm>>
      %dma_start3A_157 = arith.constant 0 : i32
      %dma_start3A_158 = tpu.memref_slice %arg7[%select_n3A_107, %dma_start3A_157] : memref<2x1024xf32, #tpu.memory_space<vmem>> -> memref<1x1024xf32, #tpu.memory_space<vmem>>
      %dma_start3A_159 = tpu.memref_squeeze %dma_start3A_158 : memref<1x1024xf32, #tpu.memory_space<vmem>> -> memref<1024xf32, #tpu.memory_space<vmem>>
      tpu.enqueue_dma source(%dma_start3A_159 : memref<1024xf32, #tpu.memory_space<vmem>>) target(%dma_start3A_156 : memref<1024xf32, #tpu.memory_space<hbm>>) target_semaphore(%dma_start3A_153 : memref<!tpu.dma_semaphore, #tpu.memory_space<semaphore_mem>>)
    }
    %scan3A_57 = arith.constant 21 : i32
    %dma_wait3A = arith.constant 1 : i32
    %dma_wait3A_58 = arith.constant 19 : i32
    %dma_wait3A_59 = arith.constant 1 : i32
    %dma_wait3A_60 = arith.constant 0 : i32
    %dma_wait3A_61 = tpu.memref_slice %arg7[%dma_wait3A, %dma_wait3A_60] : memref<2x1024xf32, #tpu.memory_space<vmem>> -> memref<1x1024xf32, #tpu.memory_space<vmem>>
    %dma_wait3A_62 = tpu.memref_squeeze %dma_wait3A_61 : memref<1x1024xf32, #tpu.memory_space<vmem>> -> memref<1024xf32, #tpu.memory_space<vmem>>
    %dma_wait3A_63 = arith.constant 0 : i32
    %dma_wait3A_64 = tpu.memref_slice %arg3[%dma_wait3A_58, %add3A, %dma_wait3A_63] : memref<21x32x1024xf32, #tpu.memory_space<hbm>> -> memref<1x1x1024xf32, #tpu.memory_space<hbm>>
    %dma_wait3A_65 = tpu.memref_squeeze %dma_wait3A_64 : memref<1x1x1024xf32, #tpu.memory_space<hbm>> -> memref<1024xf32, #tpu.memory_space<hbm>>
    %dma_wait3A_66 = tpu.memref_slice %arg9[%dma_wait3A_59] : memref<2x!tpu.dma_semaphore, #tpu.memory_space<semaphore_mem>> -> memref<1x!tpu.dma_semaphore, #tpu.memory_space<semaphore_mem>>
    %dma_wait3A_67 = tpu.memref_squeeze %dma_wait3A_66 : memref<1x!tpu.dma_semaphore, #tpu.memory_space<semaphore_mem>> -> memref<!tpu.dma_semaphore, #tpu.memory_space<semaphore_mem>>
    %dma_wait3A_68 = arith.constant 0 : i32
    %dma_wait3A_69 = tpu.memref_slice %arg3[%dma_wait3A_58, %add3A, %dma_wait3A_68] : memref<21x32x1024xf32, #tpu.memory_space<hbm>> -> memref<1x1x1024xf32, #tpu.memory_space<hbm>>
    %dma_wait3A_70 = tpu.memref_squeeze %dma_wait3A_69 : memref<1x1x1024xf32, #tpu.memory_space<hbm>> -> memref<1024xf32, #tpu.memory_space<hbm>>
    %dma_wait3A_71 = arith.constant 0 : i32
    %dma_wait3A_72 = tpu.memref_slice %arg7[%dma_wait3A, %dma_wait3A_71] : memref<2x1024xf32, #tpu.memory_space<vmem>> -> memref<1x1024xf32, #tpu.memory_space<vmem>>
    %dma_wait3A_73 = tpu.memref_squeeze %dma_wait3A_72 : memref<1x1024xf32, #tpu.memory_space<vmem>> -> memref<1024xf32, #tpu.memory_space<vmem>>
    tpu.wait_dma2 semaphore(%dma_wait3A_67 : memref<!tpu.dma_semaphore, #tpu.memory_space<semaphore_mem>>) src(%dma_wait3A_73 : memref<1024xf32, #tpu.memory_space<vmem>>) dst(%dma_wait3A_70 : memref<1024xf32, #tpu.memory_space<hbm>>)
    %dma_wait3A_74 = arith.constant 0 : i32
    %dma_wait3A_75 = arith.constant 20 : i32
    %dma_wait3A_76 = arith.constant 0 : i32
    %dma_wait3A_77 = arith.constant 0 : i32
    %dma_wait3A_78 = tpu.memref_slice %arg7[%dma_wait3A_74, %dma_wait3A_77] : memref<2x1024xf32, #tpu.memory_space<vmem>> -> memref<1x1024xf32, #tpu.memory_space<vmem>>
    %dma_wait3A_79 = tpu.memref_squeeze %dma_wait3A_78 : memref<1x1024xf32, #tpu.memory_space<vmem>> -> memref<1024xf32, #tpu.memory_space<vmem>>
    %dma_wait3A_80 = arith.constant 0 : i32
    %dma_wait3A_81 = tpu.memref_slice %arg3[%dma_wait3A_75, %add3A, %dma_wait3A_80] : memref<21x32x1024xf32, #tpu.memory_space<hbm>> -> memref<1x1x1024xf32, #tpu.memory_space<hbm>>
    %dma_wait3A_82 = tpu.memref_squeeze %dma_wait3A_81 : memref<1x1x1024xf32, #tpu.memory_space<hbm>> -> memref<1024xf32, #tpu.memory_space<hbm>>
    %dma_wait3A_83 = tpu.memref_slice %arg9[%dma_wait3A_76] : memref<2x!tpu.dma_semaphore, #tpu.memory_space<semaphore_mem>> -> memref<1x!tpu.dma_semaphore, #tpu.memory_space<semaphore_mem>>
    %dma_wait3A_84 = tpu.memref_squeeze %dma_wait3A_83 : memref<1x!tpu.dma_semaphore, #tpu.memory_space<semaphore_mem>> -> memref<!tpu.dma_semaphore, #tpu.memory_space<semaphore_mem>>
    %dma_wait3A_85 = arith.constant 0 : i32
    %dma_wait3A_86 = tpu.memref_slice %arg3[%dma_wait3A_75, %add3A, %dma_wait3A_85] : memref<21x32x1024xf32, #tpu.memory_space<hbm>> -> memref<1x1x1024xf32, #tpu.memory_space<hbm>>
    %dma_wait3A_87 = tpu.memref_squeeze %dma_wait3A_86 : memref<1x1x1024xf32, #tpu.memory_space<hbm>> -> memref<1024xf32, #tpu.memory_space<hbm>>
    %dma_wait3A_88 = arith.constant 0 : i32
    %dma_wait3A_89 = tpu.memref_slice %arg7[%dma_wait3A_74, %dma_wait3A_88] : memref<2x1024xf32, #tpu.memory_space<vmem>> -> memref<1x1024xf32, #tpu.memory_space<vmem>>
    %dma_wait3A_90 = tpu.memref_squeeze %dma_wait3A_89 : memref<1x1024xf32, #tpu.memory_space<vmem>> -> memref<1024xf32, #tpu.memory_space<vmem>>
    tpu.wait_dma2 semaphore(%dma_wait3A_84 : memref<!tpu.dma_semaphore, #tpu.memory_space<semaphore_mem>>) src(%dma_wait3A_90 : memref<1024xf32, #tpu.memory_space<vmem>>) dst(%dma_wait3A_87 : memref<1024xf32, #tpu.memory_space<hbm>>)
    return
  }
}

module attributes {stable_mosaic.version = 14 : i64} {
  func.func @_index_body(%arg0: i32, %arg1: i32, %arg2: memref<1x21x256x128xf32, #tpu.memory_space<vmem>>, %arg3: memref<1x256x128xi32, #tpu.memory_space<vmem>>, %arg4: memref<1x21x128x128xi32, #tpu.memory_space<vmem>>) attributes {dimension_semantics = [#tpu.dimension_semantics<arbitrary>, #tpu.dimension_semantics<arbitrary>], iteration_bounds = array<i64: 4, 8>, scalar_prefetch = 0 : i64, scratch_operands = 0 : i64, tpu.core_type = #tpu.core_type<tc>, window_params = [{transform_indices = @transform_0, window_bounds = array<i64: 1, 21, 256, 128>}, {transform_indices = @transform_1, window_bounds = array<i64: 1, 256, 128>}, {transform_indices = @transform_2, window_bounds = array<i64: 1, 21, 128, 128>}]} {
    %get3A = arith.constant 0 : index
    %get3A_0 = arith.constant 0 : index
    %get3A_1 = arith.constant 0 : index
    %get3A_2 = arith.constant 0 : index
    %get3A_3 = vector.load %arg2[%get3A, %get3A_0, %get3A_1, %get3A_2] : memref<1x21x256x128xf32, #tpu.memory_space<vmem>>, vector<1x21x256x128xf32>
    %get3A_4 = vector.shape_cast %get3A_3 : vector<1x21x256x128xf32> to vector<21x256x128xf32>
    %reduce_max3A = arith.constant dense<0xFF800000> : vector<256x128xf32>
    %reduce_max3A_5 = vector.multi_reduction <maximumf>, %get3A_4, %reduce_max3A [0] : vector<21x256x128xf32> to vector<256x128xf32>
    %broadcast_in_dim3A = vector.shape_cast %reduce_max3A_5 : vector<256x128xf32> to vector<1x256x128xf32>
    %sub3A = vector.broadcast %broadcast_in_dim3A : vector<1x256x128xf32> to vector<21x256x128xf32>
    %sub3A_6 = arith.subf %get3A_4, %sub3A : vector<21x256x128xf32>
    %exp3A = math.exp %sub3A_6 : vector<21x256x128xf32>
    %reduce_sum3A = arith.constant dense<0.000000e+00> : vector<256x128xf32>
    %reduce_sum3A_7 = vector.multi_reduction <add>, %exp3A, %reduce_sum3A [0] : vector<21x256x128xf32> to vector<256x128xf32>
    %broadcast_in_dim3A_8 = vector.shape_cast %reduce_sum3A_7 : vector<256x128xf32> to vector<1x256x128xf32>
    %div3A = vector.broadcast %broadcast_in_dim3A_8 : vector<1x256x128xf32> to vector<21x256x128xf32>
    %div3A_9 = arith.divf %exp3A, %div3A : vector<21x256x128xf32>
    %get3A_10 = arith.constant 0 : index
    %get3A_11 = arith.constant 0 : index
    %get3A_12 = arith.constant 0 : index
    %get3A_13 = vector.load %arg3[%get3A_10, %get3A_11, %get3A_12] : memref<1x256x128xi32, #tpu.memory_space<vmem>>, vector<1x256x128xi32>
    %get3A_14 = vector.shape_cast %get3A_13 : vector<1x256x128xi32> to vector<256x128xi32>
    %iota3A = tpu.iota {dimensions = array<i32: 0>} : vector<21x1x1xi32>
    %broadcast_in_dim3A_15 = vector.shape_cast %get3A_14 : vector<256x128xi32> to vector<1x256x128xi32>
    %eq3A = vector.broadcast %broadcast_in_dim3A_15 : vector<1x256x128xi32> to vector<21x256x128xi32>
    %eq3A_16 = vector.broadcast %iota3A : vector<21x1x1xi32> to vector<21x256x128xi32>
    %eq3A_17 = arith.cmpi eq, %eq3A, %eq3A_16 : vector<21x256x128xi32>
    %convert_element_type3A = arith.extui %eq3A_17 : vector<21x256x128xi1> to vector<21x256x128xi32>
    %convert_element_type3A_18 = arith.sitofp %convert_element_type3A : vector<21x256x128xi32> to vector<21x256x128xf32>
    %sub3A_19 = arith.subf %convert_element_type3A_18, %div3A_9 : vector<21x256x128xf32>
    %abs3A = math.absf %sub3A_19 : vector<21x256x128xf32>
    %mul3A = arith.constant 5.120000e+02 : f32
    %mul3A_20 = vector.broadcast %mul3A : f32 to vector<21x256x128xf32>
    %mul3A_21 = arith.mulf %abs3A, %mul3A_20 : vector<21x256x128xf32>
    %convert_element_type3A_22 = arith.fptosi %mul3A_21 : vector<21x256x128xf32> to vector<21x256x128xi32>
    %min3A = arith.constant 511 : i32
    %min3A_23 = vector.broadcast %min3A : i32 to vector<21x256x128xi32>
    %min3A_24 = arith.minsi %convert_element_type3A_22, %min3A_23 : vector<21x256x128xi32>
    %iota3A_25 = tpu.iota {dimensions = array<i32: 2>} : vector<21x256x128xi32>
    %and3A = arith.constant 15 : i32
    %and3A_26 = vector.broadcast %and3A : i32 to vector<21x256x128xi32>
    %and3A_27 = arith.andi %iota3A_25, %and3A_26 : vector<21x256x128xi32>
    %mul3A_28 = arith.constant 1024 : i32
    %mul3A_29 = vector.broadcast %mul3A_28 : i32 to vector<21x256x128xi32>
    %mul3A_30 = arith.muli %and3A_27, %mul3A_29 : vector<21x256x128xi32>
    %jit3A = arith.constant 512 : i32
    %jit3A_31 = arith.constant 0 : i32
    %broadcast_in_dim3A_32 = vector.broadcast %jit3A : i32 to vector<21x256x128xi32>
    %broadcast_in_dim3A_33 = vector.broadcast %jit3A_31 : i32 to vector<21x256x128xi32>
    %select_n3A = arith.select %eq3A_17, %broadcast_in_dim3A_32, %broadcast_in_dim3A_33 : vector<21x256x128xi1>, vector<21x256x128xi32>
    %add3A = arith.addi %mul3A_30, %select_n3A : vector<21x256x128xi32>
    %add3A_34 = arith.addi %add3A, %min3A_24 : vector<21x256x128xi32>
    %slice3A = vector.extract_strided_slice %add3A_34 {offsets = [0, 0, 0], sizes = [21, 128, 128], strides = [1, 1, 1]} : vector<21x256x128xi32> to vector<21x128x128xi32>
    %slice3A_35 = vector.extract_strided_slice %add3A_34 {offsets = [0, 128, 0], sizes = [21, 128, 128], strides = [1, 1, 1]} : vector<21x256x128xi32> to vector<21x128x128xi32>
    %shift_left3A = arith.constant 16 : i32
    %shift_left3A_36 = vector.broadcast %shift_left3A : i32 to vector<21x128x128xi32>
    %shift_left3A_37 = arith.shli %slice3A_35, %shift_left3A_36 : vector<21x128x128xi32>
    %or3A = arith.ori %slice3A, %shift_left3A_37 : vector<21x128x128xi32>
    %swap3A = arith.constant 0 : index
    %swap3A_38 = arith.constant 0 : index
    %swap3A_39 = arith.constant 0 : index
    %swap3A_40 = arith.constant 0 : index
    %swap3A_41 = vector.load %arg4[%swap3A, %swap3A_38, %swap3A_39, %swap3A_40] : memref<1x21x128x128xi32, #tpu.memory_space<vmem>>, vector<1x21x128x128xi32>
    %swap3A_42 = vector.shape_cast %swap3A_41 : vector<1x21x128x128xi32> to vector<21x128x128xi32>
    %swap3A_43 = vector.shape_cast %or3A : vector<21x128x128xi32> to vector<1x21x128x128xi32>
    tpu.vector_store %arg4[%swap3A, %swap3A_38, %swap3A_39, %swap3A_40], %swap3A_43 {strides = array<i32>} : memref<1x21x128x128xi32, #tpu.memory_space<vmem>>, vector<1x21x128x128xi32>,
    return
  }
  func.func @transform_0(%arg0: i32, %arg1: i32) -> (i32, i32, i32, i32) {
    %c0_i32 = arith.constant 0 : i32
    %c0_i32_0 = arith.constant 0 : i32
    %c0_i32_1 = arith.constant 0 : i32
    return %arg0, %c0_i32, %arg1, %c0_i32_0 : i32, i32, i32, i32
  }
  func.func @transform_1(%arg0: i32, %arg1: i32) -> (i32, i32, i32) {
    %c0_i32 = arith.constant 0 : i32
    %c0_i32_0 = arith.constant 0 : i32
    return %arg0, %arg1, %c0_i32 : i32, i32, i32
  }
  func.func @transform_2(%arg0: i32, %arg1: i32) -> (i32, i32, i32, i32) {
    %c0_i32 = arith.constant 0 : i32
    %c0_i32_0 = arith.constant 0 : i32
    %c0_i32_1 = arith.constant 0 : i32
    return %arg0, %c0_i32, %arg1, %c0_i32_0 : i32, i32, i32, i32
  }
}

module attributes {stable_mosaic.version = 14 : i64} {
  func.func @_finalize_body(%arg0: memref<21x32x1024xf32, #tpu.memory_space<vmem>>, %arg1: memref<1x1xf32, #tpu.memory_space<vmem>>) attributes {dimension_semantics = [], scalar_prefetch = 0 : i64, scratch_operands = 0 : i64, tpu.core_type = #tpu.core_type<tc>} {
    %get3A = arith.constant 0 : index
    %get3A_0 = arith.constant 0 : index
    %get3A_1 = arith.constant 0 : index
    %get3A_2 = vector.load %arg0[%get3A, %get3A_0, %get3A_1] : memref<21x32x1024xf32, #tpu.memory_space<vmem>>, vector<21x32x1024xf32>
    %reduce_sum3A = arith.constant dense<0.000000e+00> : vector<21x1024xf32>
    %reduce_sum3A_3 = vector.multi_reduction <add>, %get3A_2, %reduce_sum3A [1] : vector<21x32x1024xf32> to vector<21x1024xf32>
    %slice3A = vector.extract_strided_slice %reduce_sum3A_3 {offsets = [0, 0], sizes = [21, 512], strides = [1, 1]} : vector<21x1024xf32> to vector<21x512xf32>
    %slice3A_4 = vector.extract_strided_slice %reduce_sum3A_3 {offsets = [0, 512], sizes = [21, 512], strides = [1, 1]} : vector<21x1024xf32> to vector<21x512xf32>
    %add3A = arith.addf %slice3A, %slice3A_4 : vector<21x512xf32>
    %broadcast_in_dim3A = arith.constant 0.000000e+00 : f32
    %broadcast_in_dim3A_5 = vector.broadcast %broadcast_in_dim3A : f32 to vector<21x1xf32>
    %slice3A_6 = vector.extract_strided_slice %add3A {offsets = [0, 0], sizes = [21, 511], strides = [1, 1]} : vector<21x512xf32> to vector<21x511xf32>
    %concatenate3A = tpu.concatenate %broadcast_in_dim3A_5, %slice3A_6 in 1 : vector<21x1xf32>, vector<21x511xf32> -> vector<21x512xf32>
    %add3A_7 = arith.addf %add3A, %concatenate3A : vector<21x512xf32>
    %broadcast_in_dim3A_8 = arith.constant 0.000000e+00 : f32
    %broadcast_in_dim3A_9 = vector.broadcast %broadcast_in_dim3A_8 : f32 to vector<21x2xf32>
    %slice3A_10 = vector.extract_strided_slice %add3A_7 {offsets = [0, 0], sizes = [21, 510], strides = [1, 1]} : vector<21x512xf32> to vector<21x510xf32>
    %concatenate3A_11 = tpu.concatenate %broadcast_in_dim3A_9, %slice3A_10 in 1 : vector<21x2xf32>, vector<21x510xf32> -> vector<21x512xf32>
    %add3A_12 = arith.addf %add3A_7, %concatenate3A_11 : vector<21x512xf32>
    %broadcast_in_dim3A_13 = arith.constant 0.000000e+00 : f32
    %broadcast_in_dim3A_14 = vector.broadcast %broadcast_in_dim3A_13 : f32 to vector<21x4xf32>
    %slice3A_15 = vector.extract_strided_slice %add3A_12 {offsets = [0, 0], sizes = [21, 508], strides = [1, 1]} : vector<21x512xf32> to vector<21x508xf32>
    %concatenate3A_16 = tpu.concatenate %broadcast_in_dim3A_14, %slice3A_15 in 1 : vector<21x4xf32>, vector<21x508xf32> -> vector<21x512xf32>
    %add3A_17 = arith.addf %add3A_12, %concatenate3A_16 : vector<21x512xf32>
    %broadcast_in_dim3A_18 = arith.constant 0.000000e+00 : f32
    %broadcast_in_dim3A_19 = vector.broadcast %broadcast_in_dim3A_18 : f32 to vector<21x8xf32>
    %slice3A_20 = vector.extract_strided_slice %add3A_17 {offsets = [0, 0], sizes = [21, 504], strides = [1, 1]} : vector<21x512xf32> to vector<21x504xf32>
    %concatenate3A_21 = tpu.concatenate %broadcast_in_dim3A_19, %slice3A_20 in 1 : vector<21x8xf32>, vector<21x504xf32> -> vector<21x512xf32>
    %add3A_22 = arith.addf %add3A_17, %concatenate3A_21 : vector<21x512xf32>
    %broadcast_in_dim3A_23 = arith.constant 0.000000e+00 : f32
    %broadcast_in_dim3A_24 = vector.broadcast %broadcast_in_dim3A_23 : f32 to vector<21x16xf32>
    %slice3A_25 = vector.extract_strided_slice %add3A_22 {offsets = [0, 0], sizes = [21, 496], strides = [1, 1]} : vector<21x512xf32> to vector<21x496xf32>
    %concatenate3A_26 = tpu.concatenate %broadcast_in_dim3A_24, %slice3A_25 in 1 : vector<21x16xf32>, vector<21x496xf32> -> vector<21x512xf32>
    %add3A_27 = arith.addf %add3A_22, %concatenate3A_26 : vector<21x512xf32>
    %broadcast_in_dim3A_28 = arith.constant 0.000000e+00 : f32
    %broadcast_in_dim3A_29 = vector.broadcast %broadcast_in_dim3A_28 : f32 to vector<21x32xf32>
    %slice3A_30 = vector.extract_strided_slice %add3A_27 {offsets = [0, 0], sizes = [21, 480], strides = [1, 1]} : vector<21x512xf32> to vector<21x480xf32>
    %concatenate3A_31 = tpu.concatenate %broadcast_in_dim3A_29, %slice3A_30 in 1 : vector<21x32xf32>, vector<21x480xf32> -> vector<21x512xf32>
    %add3A_32 = arith.addf %add3A_27, %concatenate3A_31 : vector<21x512xf32>
    %broadcast_in_dim3A_33 = arith.constant 0.000000e+00 : f32
    %broadcast_in_dim3A_34 = vector.broadcast %broadcast_in_dim3A_33 : f32 to vector<21x64xf32>
    %slice3A_35 = vector.extract_strided_slice %add3A_32 {offsets = [0, 0], sizes = [21, 448], strides = [1, 1]} : vector<21x512xf32> to vector<21x448xf32>
    %concatenate3A_36 = tpu.concatenate %broadcast_in_dim3A_34, %slice3A_35 in 1 : vector<21x64xf32>, vector<21x448xf32> -> vector<21x512xf32>
    %add3A_37 = arith.addf %add3A_32, %concatenate3A_36 : vector<21x512xf32>
    %broadcast_in_dim3A_38 = arith.constant 0.000000e+00 : f32
    %broadcast_in_dim3A_39 = vector.broadcast %broadcast_in_dim3A_38 : f32 to vector<21x128xf32>
    %slice3A_40 = vector.extract_strided_slice %add3A_37 {offsets = [0, 0], sizes = [21, 384], strides = [1, 1]} : vector<21x512xf32> to vector<21x384xf32>
    %concatenate3A_41 = tpu.concatenate %broadcast_in_dim3A_39, %slice3A_40 in 1 : vector<21x128xf32>, vector<21x384xf32> -> vector<21x512xf32>
    %add3A_42 = arith.addf %add3A_37, %concatenate3A_41 : vector<21x512xf32>
    %broadcast_in_dim3A_43 = arith.constant 0.000000e+00 : f32
    %broadcast_in_dim3A_44 = vector.broadcast %broadcast_in_dim3A_43 : f32 to vector<21x256xf32>
    %slice3A_45 = vector.extract_strided_slice %add3A_42 {offsets = [0, 0], sizes = [21, 256], strides = [1, 1]} : vector<21x512xf32> to vector<21x256xf32>
    %concatenate3A_46 = tpu.concatenate %broadcast_in_dim3A_44, %slice3A_45 in 1 : vector<21x256xf32>, vector<21x256xf32> -> vector<21x512xf32>
    %add3A_47 = arith.addf %add3A_42, %concatenate3A_46 : vector<21x512xf32>
    %broadcast_in_dim3A_48 = arith.constant 0.000000e+00 : f32
    %broadcast_in_dim3A_49 = vector.broadcast %broadcast_in_dim3A_48 : f32 to vector<21x1xf32>
    %slice3A_50 = vector.extract_strided_slice %slice3A_4 {offsets = [0, 0], sizes = [21, 511], strides = [1, 1]} : vector<21x512xf32> to vector<21x511xf32>
    %concatenate3A_51 = tpu.concatenate %broadcast_in_dim3A_49, %slice3A_50 in 1 : vector<21x1xf32>, vector<21x511xf32> -> vector<21x512xf32>
    %add3A_52 = arith.addf %slice3A_4, %concatenate3A_51 : vector<21x512xf32>
    %broadcast_in_dim3A_53 = arith.constant 0.000000e+00 : f32
    %broadcast_in_dim3A_54 = vector.broadcast %broadcast_in_dim3A_53 : f32 to vector<21x2xf32>
    %slice3A_55 = vector.extract_strided_slice %add3A_52 {offsets = [0, 0], sizes = [21, 510], strides = [1, 1]} : vector<21x512xf32> to vector<21x510xf32>
    %concatenate3A_56 = tpu.concatenate %broadcast_in_dim3A_54, %slice3A_55 in 1 : vector<21x2xf32>, vector<21x510xf32> -> vector<21x512xf32>
    %add3A_57 = arith.addf %add3A_52, %concatenate3A_56 : vector<21x512xf32>
    %broadcast_in_dim3A_58 = arith.constant 0.000000e+00 : f32
    %broadcast_in_dim3A_59 = vector.broadcast %broadcast_in_dim3A_58 : f32 to vector<21x4xf32>
    %slice3A_60 = vector.extract_strided_slice %add3A_57 {offsets = [0, 0], sizes = [21, 508], strides = [1, 1]} : vector<21x512xf32> to vector<21x508xf32>
    %concatenate3A_61 = tpu.concatenate %broadcast_in_dim3A_59, %slice3A_60 in 1 : vector<21x4xf32>, vector<21x508xf32> -> vector<21x512xf32>
    %add3A_62 = arith.addf %add3A_57, %concatenate3A_61 : vector<21x512xf32>
    %broadcast_in_dim3A_63 = arith.constant 0.000000e+00 : f32
    %broadcast_in_dim3A_64 = vector.broadcast %broadcast_in_dim3A_63 : f32 to vector<21x8xf32>
    %slice3A_65 = vector.extract_strided_slice %add3A_62 {offsets = [0, 0], sizes = [21, 504], strides = [1, 1]} : vector<21x512xf32> to vector<21x504xf32>
    %concatenate3A_66 = tpu.concatenate %broadcast_in_dim3A_64, %slice3A_65 in 1 : vector<21x8xf32>, vector<21x504xf32> -> vector<21x512xf32>
    %add3A_67 = arith.addf %add3A_62, %concatenate3A_66 : vector<21x512xf32>
    %broadcast_in_dim3A_68 = arith.constant 0.000000e+00 : f32
    %broadcast_in_dim3A_69 = vector.broadcast %broadcast_in_dim3A_68 : f32 to vector<21x16xf32>
    %slice3A_70 = vector.extract_strided_slice %add3A_67 {offsets = [0, 0], sizes = [21, 496], strides = [1, 1]} : vector<21x512xf32> to vector<21x496xf32>
    %concatenate3A_71 = tpu.concatenate %broadcast_in_dim3A_69, %slice3A_70 in 1 : vector<21x16xf32>, vector<21x496xf32> -> vector<21x512xf32>
    %add3A_72 = arith.addf %add3A_67, %concatenate3A_71 : vector<21x512xf32>
    %broadcast_in_dim3A_73 = arith.constant 0.000000e+00 : f32
    %broadcast_in_dim3A_74 = vector.broadcast %broadcast_in_dim3A_73 : f32 to vector<21x32xf32>
    %slice3A_75 = vector.extract_strided_slice %add3A_72 {offsets = [0, 0], sizes = [21, 480], strides = [1, 1]} : vector<21x512xf32> to vector<21x480xf32>
    %concatenate3A_76 = tpu.concatenate %broadcast_in_dim3A_74, %slice3A_75 in 1 : vector<21x32xf32>, vector<21x480xf32> -> vector<21x512xf32>
    %add3A_77 = arith.addf %add3A_72, %concatenate3A_76 : vector<21x512xf32>
    %broadcast_in_dim3A_78 = arith.constant 0.000000e+00 : f32
    %broadcast_in_dim3A_79 = vector.broadcast %broadcast_in_dim3A_78 : f32 to vector<21x64xf32>
    %slice3A_80 = vector.extract_strided_slice %add3A_77 {offsets = [0, 0], sizes = [21, 448], strides = [1, 1]} : vector<21x512xf32> to vector<21x448xf32>
    %concatenate3A_81 = tpu.concatenate %broadcast_in_dim3A_79, %slice3A_80 in 1 : vector<21x64xf32>, vector<21x448xf32> -> vector<21x512xf32>
    %add3A_82 = arith.addf %add3A_77, %concatenate3A_81 : vector<21x512xf32>
    %broadcast_in_dim3A_83 = arith.constant 0.000000e+00 : f32
    %broadcast_in_dim3A_84 = vector.broadcast %broadcast_in_dim3A_83 : f32 to vector<21x128xf32>
    %slice3A_85 = vector.extract_strided_slice %add3A_82 {offsets = [0, 0], sizes = [21, 384], strides = [1, 1]} : vector<21x512xf32> to vector<21x384xf32>
    %concatenate3A_86 = tpu.concatenate %broadcast_in_dim3A_84, %slice3A_85 in 1 : vector<21x128xf32>, vector<21x384xf32> -> vector<21x512xf32>
    %add3A_87 = arith.addf %add3A_82, %concatenate3A_86 : vector<21x512xf32>
    %broadcast_in_dim3A_88 = arith.constant 0.000000e+00 : f32
    %broadcast_in_dim3A_89 = vector.broadcast %broadcast_in_dim3A_88 : f32 to vector<21x256xf32>
    %slice3A_90 = vector.extract_strided_slice %add3A_87 {offsets = [0, 0], sizes = [21, 256], strides = [1, 1]} : vector<21x512xf32> to vector<21x256xf32>
    %concatenate3A_91 = tpu.concatenate %broadcast_in_dim3A_89, %slice3A_90 in 1 : vector<21x256xf32>, vector<21x256xf32> -> vector<21x512xf32>
    %add3A_92 = arith.addf %add3A_87, %concatenate3A_91 : vector<21x512xf32>
    %slice3A_93 = vector.extract_strided_slice %add3A_92 {offsets = [0, 511], sizes = [21, 1], strides = [1, 1]} : vector<21x512xf32> to vector<21x1xf32>
    %slice3A_94 = vector.extract_strided_slice %add3A_47 {offsets = [0, 511], sizes = [21, 1], strides = [1, 1]} : vector<21x512xf32> to vector<21x1xf32>
    %sub3A = vector.broadcast %slice3A_94 : vector<21x1xf32> to vector<21x512xf32>
    %sub3A_95 = arith.subf %sub3A, %add3A_47 : vector<21x512xf32>
    %add3A_96 = arith.addf %sub3A_95, %add3A : vector<21x512xf32>
    %sub3A_97 = vector.broadcast %slice3A_93 : vector<21x1xf32> to vector<21x512xf32>
    %sub3A_98 = arith.subf %sub3A_97, %add3A_92 : vector<21x512xf32>
    %add3A_99 = arith.addf %sub3A_98, %slice3A_4 : vector<21x512xf32>
    %iota3A = tpu.iota {dimensions = array<i32: 1>} : vector<1x512xi32>
    %convert_element_type3A = arith.sitofp %iota3A : vector<1x512xi32> to vector<1x512xf32>
    %add3A_100 = arith.constant 5.000000e-01 : f32
    %add3A_101 = vector.broadcast %add3A_100 : f32 to vector<1x512xf32>
    %add3A_102 = arith.addf %convert_element_type3A, %add3A_101 : vector<1x512xf32>
    %mul3A = arith.constant 0.001953125 : f32
    %mul3A_103 = vector.broadcast %mul3A : f32 to vector<1x512xf32>
    %mul3A_104 = arith.mulf %add3A_102, %mul3A_103 : vector<1x512xf32>
    %eq3A = arith.constant 0.000000e+00 : f32
    %eq3A_105 = vector.broadcast %eq3A : f32 to vector<21x512xf32>
    %eq3A_106 = arith.cmpf oeq, %add3A_96, %eq3A_105 : vector<21x512xf32>
    %sub3A_107 = vector.broadcast %slice3A_93 : vector<21x1xf32> to vector<21x512xf32>
    %sub3A_108 = arith.subf %sub3A_107, %add3A_99 : vector<21x512xf32>
    %add3A_109 = vector.broadcast %slice3A_93 : vector<21x1xf32> to vector<21x512xf32>
    %add3A_110 = arith.addf %add3A_109, %add3A_96 : vector<21x512xf32>
    %sub3A_111 = arith.subf %add3A_110, %add3A_99 : vector<21x512xf32>
    %max3A = arith.constant 1.000000e+00 : f32
    %max3A_112 = vector.broadcast %max3A : f32 to vector<21x512xf32>
    %max3A_113 = arith.maximumf %sub3A_111, %max3A_112 : vector<21x512xf32>
    %div3A = arith.divf %sub3A_108, %max3A_113 : vector<21x512xf32>
    %sub3A_114 = arith.constant 1.000000e+00 : f32
    %sub3A_115 = vector.broadcast %sub3A_114 : f32 to vector<21x512xf32>
    %sub3A_116 = arith.subf %sub3A_115, %div3A : vector<21x512xf32>
    %jit3A = arith.constant 0.000000e+00 : f32
    %broadcast_in_dim3A_117 = vector.broadcast %jit3A : f32 to vector<21x512xf32>
    %select_n3A = arith.select %eq3A_106, %broadcast_in_dim3A_117, %sub3A_116 : vector<21x512xi1>, vector<21x512xf32>
    %eq3A_118 = arith.constant 0.000000e+00 : f32
    %eq3A_119 = vector.broadcast %eq3A_118 : f32 to vector<21x512xf32>
    %eq3A_120 = arith.cmpf oeq, %sub3A_95, %eq3A_119 : vector<21x512xf32>
    %sub3A_121 = vector.broadcast %slice3A_93 : vector<21x1xf32> to vector<21x512xf32>
    %sub3A_122 = arith.subf %sub3A_121, %sub3A_98 : vector<21x512xf32>
    %add3A_123 = vector.broadcast %slice3A_93 : vector<21x1xf32> to vector<21x512xf32>
    %add3A_124 = arith.addf %add3A_123, %sub3A_95 : vector<21x512xf32>
    %sub3A_125 = arith.subf %add3A_124, %sub3A_98 : vector<21x512xf32>
    %max3A_126 = arith.constant 1.000000e+00 : f32
    %max3A_127 = vector.broadcast %max3A_126 : f32 to vector<21x512xf32>
    %max3A_128 = arith.maximumf %sub3A_125, %max3A_127 : vector<21x512xf32>
    %div3A_129 = arith.divf %sub3A_122, %max3A_128 : vector<21x512xf32>
    %sub3A_130 = arith.constant 1.000000e+00 : f32
    %sub3A_131 = vector.broadcast %sub3A_130 : f32 to vector<21x512xf32>
    %sub3A_132 = arith.subf %sub3A_131, %div3A_129 : vector<21x512xf32>
    %jit3A_133 = arith.constant 0.000000e+00 : f32
    %broadcast_in_dim3A_134 = vector.broadcast %jit3A_133 : f32 to vector<21x512xf32>
    %select_n3A_135 = arith.select %eq3A_120, %broadcast_in_dim3A_134, %sub3A_132 : vector<21x512xi1>, vector<21x512xf32>
    %sub3A_136 = arith.subf %select_n3A, %select_n3A_135 : vector<21x512xf32>
    %mul3A_137 = vector.broadcast %mul3A_104 : vector<1x512xf32> to vector<21x512xf32>
    %mul3A_138 = arith.mulf %mul3A_137, %sub3A_136 : vector<21x512xf32>
    %reduce_sum3A_139 = vector.shape_cast %mul3A_138 : vector<21x512xf32> to vector<1x21x512xf32>
    %reduce_sum3A_140 = arith.constant dense<0.000000e+00> : vector<1xf32>
    %reduce_sum3A_141 = vector.multi_reduction <add>, %reduce_sum3A_139, %reduce_sum3A_140 [1, 2] : vector<1x21x512xf32> to vector<1xf32>
    %reduce_sum3A_142 = vector.shape_cast %reduce_sum3A_141 : vector<1xf32> to vector<1x1x1xf32>
    %reduce_sum3A_143 = vector.extract %reduce_sum3A_142[0, 0, 0] : f32 from vector<1x1x1xf32>
    %mul3A_144 = arith.constant 0.0476190485 : f32
    %mul3A_145 = arith.mulf %reduce_sum3A_143, %mul3A_144 : f32
    %reshape3A = vector.broadcast %mul3A_145 : f32 to vector<1x1xf32>
    %swap3A = arith.constant 0 : index
    %swap3A_146 = arith.constant 0 : index
    %swap3A_147 = vector.load %arg1[%swap3A, %swap3A_146] : memref<1x1xf32, #tpu.memory_space<vmem>>, vector<1x1xf32>
    tpu.vector_store %arg1[%swap3A, %swap3A_146], %reshape3A {strides = array<i32>} : memref<1x1xf32, #tpu.memory_space<vmem>>, vector<1x1xf32>,
    return
  }
}

</mosaic_0001>

<sc_bundles>
// kernel: kernel.5.cloned.1.call-start
scs
__scs_entry_jumppad:
0x0: {  	(pc) =	sbr.rel $0x88, $3  }
0x1: {  	(tag) =	ssettag $0x0;
	lr =	simm.s32 $0x1  }
0x2: {  	[smem:$0x3F9F] =	sst lr;
	_ =	strace $0xD0000000  }
0x3: {  	_ = 	snop  }
0x4: {  	_ = 	snop  }
0x5: {  	_ = 	snop  }
0x6: {  	_ = 	snop  }
0x7: {  	_ = 	snop  }
__scs_overlays_trampoline_lowered:
0x8: {  	[smem:$0x3FAE] =	sst s0  }
0x9: {  	[smem:$0x3FAF] =	sst s1  }
0xa: {  	[smem:$0x3FB0] =	sst s2  }
0xb: {  	[smem:$0x3FB1] =	sst s3  }
0xc: {  	[smem:$0x3FB2] =	sst s4  }
0xd: {  	[smem:$0x3FB3] =	sst s5  }
0xe: {  	[smem:$0x3FB4] =	sst s6  }
0xf: {  	[smem:$0x3FB5] =	sst s7  }
0x10: {  	[smem:$0x3FB6] =	sst s8  }
0x11: {  	[smem:$0x3FB7] =	sst s9;
	s0 =	simm.s32 @!p0 $0x0  }
0x12: {  	s1 =	sld [smem:$0x3F9D];
	s0 =	simm.s32 @p0 $0x1  }
0x13: {  	[smem:$0x3FB8] =	sst s0;
	s0 =	simm.s32 @!p1 $0x0  }
0x14: {  	s2 =	sld [smem:$0x3F9C];
	s0 =	simm.s32 @p1 $0x1  }
0x15: {  	[smem:$0x3FB9] =	sst s0;
	s0 =	simm.s32 @!p2 $0x0  }
0x16: {  	s3 =	sld [smem:$0x3FDB];
	s0 =	simm.s32 @p2 $0x1  }
0x17: {  	s4 =	simm.s32 $0x1BF5;
	[smem:$0x3FBB] =	sst s0  }
0x18: {  	s0 =	sld [smem:$0x3F9E];
	_ =	swait.ge [sflag:s4], $0x0  }
0x19: {  	s7 =	sld [smem:$0x3F9F]  }
0x1a: {  	s8 =	sadd.s32 $0xFFFFE003, lr  }
0x1b: {  	s9 =	sadd.s32 $0xFFFFFEF7, lr;
	s5 =	simm.s32 $0xFFFFFFFF;
	p2 =	slt.u32 s8, $0xFFFFF086  }
0x1c: {  	p1 =	slt.u32 s9, $0xF7A;
	s5 =	simm.s32 @!p2 $0x0  }
0x1d: {  	s5 =	simm.s32 @p1 $0x1;
	p0 =	seq.s32 s7, s2  }
0x1e: {  	s7 =	smul.u32 @!p0 $0xF7A, s2;
	p2 =	seq.s32 @!p0 s5, $0x0  }
0x1f: {  	s9 =	smul.u32 $0xF7A, s1;
	s8 =	simm.s32 @!p0 $0x1BF5;
	p2 =	por !p2, p0  }
0x20: {  	[sflag:s8] =	ssyncset.s32 @!p0 $0xFFFFF086;
	s6 =	sadd.s32 @!p0 s3, s7;
	s7 =	simm.s32 @!p0 $0x108  }
0x21: {  	s3 =	sadd.s32 s3, s9;
	s6 =	sadd.s32 @!p0 $0x88, s6;
	s7 =	simm.s32 @p2 $0x1082  }
0x22: {  	[simem:s7], [sflag:s8] =	dma.local @!p0 [hbm:s6], $0xF7A  }
0x23: {  	s9 =	sor.u32 $0xD0000000, s2;
	s6 =	simm.s32 $0x108;
	_ =	swait.ge @!p0 [sflag:s8], $0x0  }
0x24: {  	s3 =	sadd.s32 $0x88, s3;
	s6 =	simm.s32 @!p1 $0x1082;
	[sflag:s4] =	ssyncset.s32 $0xFFFFF086  }
0x25: {  	[simem:s6], [sflag:s4] =	dma.local [hbm:s3], $0xF7A  }
0x26: {  	[smem:$0x3F9F] =	sst s1;
	(tag) =	ssettag s2;
	_ =	strace s9  }
0x27: {  	s1 =	sld [smem:$0x3FAF]  }
0x28: {  	s2 =	sld [smem:$0x3FB0]  }
0x29: {  	s4 =	sld [smem:$0x3FB2]  }
0x2a: {  	p0 =	seq.s32 s5, $0x0;
	s5 =	sld [smem:$0x3FB3]  }
0x2b: {  	s6 =	sld [smem:$0x3FB4]  }
0x2c: {  	s7 =	sld [smem:$0x3FB5]  }
0x2d: {  	s3 =	simm.s32 $0x108;
	s8 =	sld [smem:$0x3FB6]  }
0x2e: {  	s3 =	simm.s32 @!p0 $0x1082;
	s9 =	sld [smem:$0x3FB7]  }
0x2f: {  	lr =	sadd.s32 s0, s3;
	s0 =	sld [smem:$0x3FAE]  }
0x30: {  	s3 =	sld [smem:$0x3FB1]  }
0x31: {  	[smem:$0x3FBA] =	sst s10  }
0x32: {  	s10 =	sld [smem:$0x3FB8];
	_ =	sdelay $0x3  }
0x33: {  	p0 =	seq.s32 s10, $0x1;
	s10 =	sld [smem:$0x3FBA];
	_ =	sdelay $0x3  }
0x34: {  	[smem:$0x3FBA] =	sst s10  }
0x35: {  	s10 =	sld [smem:$0x3FB9];
	_ =	sdelay $0x3  }
0x36: {  	p1 =	seq.s32 s10, $0x1;
	s10 =	sld [smem:$0x3FBA];
	_ =	sdelay $0x3  }
0x37: {  	[smem:$0x3FBA] =	sst s10  }
0x38: {  	s10 =	sld [smem:$0x3FBB]  }
0x39: {  	_ = 	snop;
	(pc) =	sbr.ind lr, $3  }
0x3a: {  	_ = 	snop  }
0x3b: {  	_ = 	snop  }
0x3c: {  	p2 =	seq.s32 s10, $0x1;
	s10 =	sld [smem:$0x3FBA]  }
0x3d: {  	_ =	shalt  }
0x3e: {  	_ =	shalt  }
0x3f: {  	_ =	shalt  }
0x40: {  	_ =	shalt  }
0x41: {  	_ =	shalt  }
0x42: {  	_ =	shalt  }
0x43: {  	_ =	shalt  }
0x44: {  	_ =	shalt  }
0x45: {  	_ =	shalt  }
0x46: {  	_ =	shalt  }
0x47: {  	_ =	shalt  }
0x48: {  	_ =	shalt  }
0x49: {  	_ =	shalt  }
0x4a: {  	_ =	shalt  }
0x4b: {  	_ =	shalt  }
0x4c: {  	_ =	shalt  }
0x4d: {  	_ =	shalt  }
0x4e: {  	_ =	shalt  }
0x4f: {  	_ =	shalt  }
0x50: {  	_ =	shalt  }
0x51: {  	_ =	shalt  }
0x52: {  	_ =	shalt  }
0x53: {  	_ =	shalt  }
0x54: {  	_ =	shalt  }
0x55: {  	_ =	shalt  }
0x56: {  	_ =	shalt  }
0x57: {  	_ =	shalt  }
0x58: {  	_ =	shalt  }
0x59: {  	_ =	shalt  }
0x5a: {  	_ =	shalt  }
0x5b: {  	_ =	shalt  }
0x5c: {  	_ =	shalt  }
0x5d: {  	_ =	shalt  }
0x5e: {  	_ =	shalt  }
0x5f: {  	_ =	shalt  }
0x60: {  	_ =	shalt  }
0x61: {  	_ =	shalt  }
0x62: {  	_ =	shalt  }
0x63: {  	_ =	shalt  }
0x64: {  	_ =	shalt  }
0x65: {  	_ =	shalt  }
0x66: {  	_ =	shalt  }
0x67: {  	_ =	shalt  }
0x68: {  	_ =	shalt  }
0x69: {  	_ =	shalt  }
0x6a: {  	_ =	shalt  }
0x6b: {  	_ =	shalt  }
0x6c: {  	_ =	shalt  }
0x6d: {  	_ =	shalt  }
0x6e: {  	_ =	shalt  }
0x6f: {  	_ =	shalt  }
0x70: {  	_ =	shalt  }
0x71: {  	_ =	shalt  }
0x72: {  	_ =	shalt  }
0x73: {  	_ =	shalt  }
0x74: {  	_ =	shalt  }
0x75: {  	_ =	shalt  }
0x76: {  	_ =	shalt  }
0x77: {  	_ =	shalt  }
0x78: {  	_ =	shalt  }
0x79: {  	_ =	shalt  }
0x7a: {  	_ =	shalt  }
0x7b: {  	_ =	shalt  }
0x7c: {  	_ =	shalt  }
0x7d: {  	_ =	shalt  }
0x7e: {  	_ =	shalt  }
0x7f: {  	_ =	shalt  }
0x80: {  	_ =	shalt  }
0x81: {  	_ =	shalt  }
0x82: {  	_ =	shalt  }
0x83: {  	_ =	shalt  }
0x84: {  	_ =	shalt  }
0x85: {  	_ =	shalt  }
0x86: {  	_ =	shalt  }
0x87: {  	_ =	shalt  }
.Lfunc_end0:
.L_simem_size_0:
called_computation_lowered:
.L_overlay_start_0:
0x88: {  	s2 =	sld [smem:$0x3FD9]  }
0x89: {  	s3 =	sld [smem:$0x3FFE];
	_ =	sdelay $0x1  }
0x8a: {  	s1 =	srdreg.scid  }
0x8b: {  	s0 =	sand.u32 $0x1, s1  }
0x8c: {  	s16 =	sshll.u32 s0, $0xA;
	s2 =	sadd.s32 s3, s2  }
0x8d: {  	s2 =	sadd.s32 s2, s16  }
0x8e: {  	[smem:$0x3FC6] =	sst s2  }
0x8f: {  	_ = 	snop  }
0x90: {  	(tm) =	ssettm $0x1  }
0x91: {  	s17 =	sld [smem:$0x3FFB];
	_ =	sdelay $0x3  }
0x92: {  	_ =	strace s17  }
0x93: {  	s2 =	sld [smem:$0x3FFC];
	_ =	sdelay $0x3  }
0x94: {  	_ =	strace s2  }
0x95: {  	s2 =	sld [smem:$0x3FFD];
	_ =	sdelay $0x3  }
0x96: {  	_ =	strace s2  }
0x97: {  	_ =	strace $0x8FFFFFFF  }
0x98: {  	s18 =	sld [smem:$0x3FDB];
	_ =	sdelay $0x1  }
0x99: {  	s19 =	simm.s32 $_scs_section_size  }
0x9a: {  	s4 =	simm.s32 $_size__tile_overlayer_lowered;
	s5 =	simm.s32 $_tile_overlayer_lowered  }
0x9b: {  	s22 =	simm.s32 $0x1BFF;
	s21 =	sshll.u32 s5, $0x1;
	s2 =	sadd.s32 s19, s18  }
0x9c: {  	s6 =	simm.s32 $0x0;
	s20 =	sshll.u32 s4, $0x1;
	s4 =	sadd.s32 s21, s2  }
0x9d: {  	[timem:s6], [sflag:s22] =	dma.local [hbm:s4], s20  }
0x9e: {  	_ =	swait.ge [sflag:s22], s20  }
0x9f: {  	s3 =	ssub.s32 $0x0, s20;
	[sflag:s22] =	ssyncset.done $0x0  }
0xa0: {  	[sflag:s22] =	ssyncadd.s32 s3;
	_ =	sdelay $0x1  }
0xa1: {  	s23 =	simm.s32 $0x1B8B  }
0xa2: {  	_ =	swait.ge [sflag:s23], $0x1  }
0xa3: {  	[sflag:s23] =	ssyncset.done $0x0  }
0xa4: {  	s25 =	simm.s32 $0x1B8E;
	s24 =	sld [smem:$0x3FFE];
	[sflag:s23] =	ssyncadd.s32 $0xFFFFFFFF  }
0xa5: {  	s26 =	simm.s32 $execute0_lowered;
	[smem:$0x3FD2] =	sst s25  }
0xa6: {  	s4 =	sshll.u32 s26, $0x1;
	_ =	strace $0x80000046;
	[dreg:$0x1] =	wrdreg $0xFFFFFFFF  }
0xa7: {  	s28 =	simm.s32 $_size_execute0_lowered;
	s2 =	sadd.s32 s2, s4;
	[dreg:$0x0] =	wrdreg $0x0  }
0xa8: {  	s4 =	sshll.u32 s28, $0x1;
	[dreg:$0x2] =	wrdreg s2  }
0xa9: {  	[dreg:$0x3] =	wrdreg s4  }
0xaa: {  	[dreg:$0x4] =	wrdreg $0xC0  }
0xab: {  	_ =	task [dreg:s6], $0x5FFFF  }
0xac: {  	[dreg:$0x1] =	wrdreg $0xFFFFFFFF  }
0xad: {  	[dreg:$0x0] =	wrdreg $0x60  }
0xae: {  	[dreg:$0x2] =	wrdreg s24  }
0xaf: {  	[dreg:$0x3] =	wrdreg $0x9  }
0xb0: {  	_ =	task.clear_ibuf [dreg:s6], $0x4FFFF;
	_ =	strace $0x90000046  }
0xb1: {  	s29 =	simm.s32 $0x9;
	_ =	strace $0x80000048  }
0xb2: {  	_ =	swait.ge [sflag:s29], $0x1  }
0xb3: {  	[sflag:s29] =	ssyncadd.s32 $0xFFFFFFFF  }
0xb4: {  	_ =	strace $0x90000048  }
0xb5: {  	_ =	sfence  }
0xb6: {  	s30 =	sld [smem:$0x0];
	_ =	sdelay $0x2  }
0xb7: {  	s31 =	sshll.u32 s1, $0xD;
	s1 =	sshrl.u32 s1, $0x2  }
0xb8: {  	s3 =	sand.u32 $0x4000, s31;
	s1 =	sadd.s32 s1, s30  }
0xb9: {  	s0 =	sor.u32 s3, s0;
	s1 =	sshll.u32 s1, $0x11  }
0xba: {  	s0 =	sor.u32 s1, s0  }
0xbb: {  	s0 =	sadd.s32 $0x8F2B, s0  }
0xbc: {  	[sflag:s0] =	ssyncadd.remote.s32 $0x1  }
0xbd: {  	_ =	sfence.sel $0xFFFF  }
0xbe: {  	[dreg:$0x0] =	wrdreg $0xFFFFFFFF;
	(pc) =	sbr.abs _section_cstart, $3  }
0xbf: {  	[dreg:$0x1] =	wrdreg $0xFFFFFFFF  }
0xc0: {  	_ =	task.clear_ibuf [dreg:s6], $0x2FFFF;
	_ =	strace $0x9FFFFFFF  }
0xc1: {  	(tm) =	ssettm $0x7FFFFFFF  }
tec
execute0_lowered:
.L_overlay_start_1:
0x0: {  	(tag) =	ssettag $0x1  }
0x1: {  	s4 =	rddreg [dreg:$0x0]  }
0x2: {  	s0 =	rddreg [dreg:$0x1];
	s2 =	simm.s32 $0x0  }
0x3: {  	s1 =	stileid.u32;
	s3 =	srdreg.scid;
	s11 =	simm.s32 $0x2  }
0x4: {  	s12 =	simm.s32 $0x4;
	s13 =	simm.s32 $0x3;
	s14 =	simm.s32 $0x0  }
0x5: {  	[smem:$0x7FF] =	sst s2;
	s5 =	sand.u32 $0x1, s3;
	s30 =	sshll.u32 s1, $0x1  }
0x6: {  	s6 =	sshll.u32 s1, $0x8;
	s8 =	sshrl.u32 s1, $0x2;
	s3 =	sadd.s32 $0x2A0600, s4  }
0x7: {  	_ =	strace $0x80000047;
	s7 =	sor.u32 s5, s30;
	s6 =	sand.u32 $0xC00, s6  }
0x8: {  	s10 =	smul.u32 $0x2A0000, s8;
	s5 =	ssub.s32 $0x2, s5;
	s9 =	sshll.u32 s7, $0xE  }
0x9: {  	s6 =	sadd.s32 s6, s4;
	s7 =	sshll.u32 s7, $0x4;
	s4 =	sand.u32 $0x1C000, s9  }
0xa: {  	s31 =	sshrl.u32 s5, $0x1;
	s7 =	sand.u32 $0x70, s7;
	s9 =	sor.u32 s10, s4  }
0xb: {  	s10 =	ssub.s32 s5, s31;
	s7 =	sadd.s32 s7, s6;
	s6 =	smul.u32 $0x15, s8  }
0xc: {  	s9 =	sshrl.u32 s9, $0x3;
	s7 =	sadd.s32 $0x600, s7;
	s8 =	smax.u32 s10, $0x1  }
0xd: {  	v0 =	vimm.f32 $0.0e+00;
	v1 =	vimm.f32 $1.000000000e+00;
	s10 =	simm.s32 $0x8000;
	s5 =	sadd.s32 s3, s9;
	s9 =	simm.s32 $0x1  }
.LBB2_1:
0xe: {  	s15 =	simm.s32 $0x40;
	s16 =	simm.s32 $0x0  }
.LBB2_2:
0xf: {  	p0 =	sne.s32 s15, $0xFFC0;
	[tilespmem:s16+$0x8000] =	vst v0;
	s16 =	smov.u32 s15;
	s15 =	sadd.s32 $0x40, s15  }
.Ltmp0:
0x10: {  	(pc) =	sbr.rel @p0 .LBB2_2-.Ltmp0, $2  }
0x11: {  	_ =	sdelay $0x2  }
0x12: {  	s16 =	sshra.s32 s16, $0x2  }
0x13: {  	[tilespmem:s16+$0x8000] =	vst v0;
	s16 =	simm.s32 $0x0  }
0x14: {  	[tilespmem:s16], [sflag:$0x1] =	stream.linear.gather [hbm4b:s5+s16], $0x4000, $0x38;
	[tilespmem:$0xC800] =	vst v63  }
.LBB2_4:
0x15: {  	s17 =	sand.u32 $0x1, s16;
	p0 =	seq.s32 s16, $0x14  }
0x16: {  	p1 =	sne.s32 @!p0 s17, $0x0  }
0x17: {  	s15 =	sadd.s32 $0x1, s16;
	p0 =	por p1, p0  }
0x18: {  	s18 =	sadd.s32 @!p0 s6, s15  }
0x19: {  	s18 =	sshll.u32 @!p0 s18, $0x11  }
0x1a: {  	s18 =	sor.u32 @!p0 s4, s18  }
0x1b: {  	s18 =	sshrl.u32 @!p0 s18, $0x3  }
0x1c: {  	s19 =	simm.s32 @!p0 $0x0;
	s20 =	simm.s32 @!p0 $0x4000;
	s18 =	sadd.s32 @!p0 s3, s18  }
0x1d: {  	[tilespmem:s20], [sflag:$0x2] =	stream.linear.gather @!p0 [hbm4b:s18+s19], $0x4000, $0x38;
	[tilespmem:$0xC800] =	vst v63  }
0x1e: {  	p0 =	seq.s32 s17, $0x0  }
0x1f: {  	s18 =	sadd.s32 @!p0 s6, s15  }
0x20: {  	s18 =	sshll.u32 @!p0 s18, $0x11  }
0x21: {  	s18 =	sor.u32 @!p0 s4, s18  }
0x22: {  	s18 =	sshrl.u32 @!p0 s18, $0x3  }
0x23: {  	s19 =	simm.s32 @!p0 $0x0;
	s18 =	sadd.s32 @!p0 s3, s18  }
0x24: {  	[tilespmem:s19], [sflag:$0x1] =	stream.linear.gather @!p0 [hbm4b:s18+s19], $0x4000, $0x38;
	[tilespmem:$0xC800] =	vst v63  }
0x25: {  	p0 =	sne.s32 s17, $0x0  }
.Ltmp1:
0x26: {  	_ = 	snop;
	(pc) =	sbr.rel @p0 .LBB2_8-.Ltmp1, $1  }
0x27: {  	_ =	sdelay $0x3  }
0x28: {  	_ =	swait.ge [sflag:s9], $0x4000  }
0x29: {  	[sflag:s9] =	ssyncset.done $0x0  }
0x2a: {  	s18 =	simm.s32 $0x0;
	[sflag:s9] =	ssyncadd.s32 $0xFFFFC000  }
0x2b: {  	v2 =	vld [tilespmem:s18+$0x0];
	_ =	sdelay $0x1  }
0x2c: {  	v3 =	vld [tilespmem:s18+$0x10];
	_ =	sdelay $0x1  }
0x2d: {  	v4 =	vld [tilespmem:s18+$0x20]  }
0x2e: {  	v5 =	vld [tilespmem:s18+$0x70];
	v6 =	vand.u32 $0xFFFF, v2  }
0x2f: {  	v7 =	vld [tilespmem:s18+$0x30];
	v2 =	vshrl.u32 v2, $0x10  }
0x30: {  	v8 =	vld [tilespmem:s18+$0x60];
	v9 =	vand.u32 $0xFFFF, v3  }
0x31: {  	v10 =	vld [tilespmem:s18+$0x40];
	v3 =	vshrl.u32 v3, $0x10  }
0x32: {  	v11 =	vld [tilespmem:s18+$0x50];
	v12 =	vand.u32 $0xFFFF, v4  }
0x33: {  	v4 =	vshrl.u32 v4, $0x10;
	[tilespmem:v6+s10+$0x0] =	vst.idx.add.f32.msk $0xffff, v1  }
0x34: {  	[tilespmem:v2+s10+$0x0] =	vst.idx.add.f32.msk $0xffff, v1;
	v2 =	vand.u32 $0xFFFF, v7  }
0x35: {  	v59 =	vshrl.u32 v7, $0x10;
	[tilespmem:v9+s10+$0x0] =	vst.idx.add.f32.msk $0xffff, v1  }
0x36: {  	[tilespmem:v3+s10+$0x0] =	vst.idx.add.f32.msk $0xffff, v1;
	v3 =	vand.u32 $0xFFFF, v10  }
0x37: {  	v60 =	vshrl.u32 v10, $0x10;
	[tilespmem:v12+s10+$0x0] =	vst.idx.add.f32.msk $0xffff, v1  }
0x38: {  	v61 =	vand.u32 $0xFFFF, v11;
	[tilespmem:v4+s10+$0x0] =	vst.idx.add.f32.msk $0xffff, v1  }
0x39: {  	v62 =	vshrl.u32 v11, $0x10;
	[tilespmem:v2+s10+$0x0] =	vst.idx.add.f32.msk $0xffff, v1  }
0x3a: {  	v2 =	vand.u32 $0xFFFF, v8;
	[tilespmem:v59+s10+$0x0] =	vst.idx.add.f32.msk $0xffff, v1  }
0x3b: {  	[tilespmem:v3+s10+$0x0] =	vst.idx.add.f32.msk $0xffff, v1  }
0x3c: {  	[tilespmem:v60+s10+$0x0] =	vst.idx.add.f32.msk $0xffff, v1  }
0x3d: {  	v63 =	vshrl.u32 v8, $0x10;
	[tilespmem:v61+s10+$0x0] =	vst.idx.add.f32.msk $0xffff, v1  }
0x3e: {  	v3 =	vand.u32 $0xFFFF, v5;
	[tilespmem:v62+s10+$0x0] =	vst.idx.add.f32.msk $0xffff, v1  }
0x3f: {  	[tilespmem:v2+s10+$0x0] =	vst.idx.add.f32.msk $0xffff, v1;
	v2 =	vshrl.u32 v5, $0x10;
	_ =	sdelay $0x2  }
0x40: {  	[tilespmem:v63+s10+$0x0] =	vst.idx.add.f32.msk $0xffff, v1  }
0x41: {  	s18 =	simm.s32 $0x200;
	[tilespmem:v3+s10+$0x0] =	vst.idx.add.f32.msk $0xffff, v1  }
.LBB2_6:
0x42: {  	s19 =	sshra.s32 s18, $0x2;
	p0 =	sne.s32 s18, $0xFE00;
	s18 =	sadd.s32 $0x200, s18;
	[tilespmem:v2+s10+$0x0] =	vst.idx.add.f32.msk $0xffff, v1  }
0x43: {  	v2 =	vld [tilespmem:s19+$0x0];
	_ =	sdelay $0x1  }
0x44: {  	v3 =	vld [tilespmem:s19+$0x10];
	_ =	sdelay $0x1  }
0x45: {  	v4 =	vld [tilespmem:s19+$0x20]  }
0x46: {  	v5 =	vld [tilespmem:s19+$0x70];
	v6 =	vand.u32 $0xFFFF, v2  }
0x47: {  	v2 =	vshrl.u32 v2, $0x10;
	v7 =	vld [tilespmem:s19+$0x30]  }
0x48: {  	v8 =	vld [tilespmem:s19+$0x60];
	v9 =	vand.u32 $0xFFFF, v3  }
0x49: {  	v3 =	vshrl.u32 v3, $0x10;
	v10 =	vld [tilespmem:s19+$0x40]  }
0x4a: {  	v11 =	vld [tilespmem:s19+$0x50];
	v12 =	vand.u32 $0xFFFF, v4  }
0x4b: {  	v4 =	vshrl.u32 v4, $0x10;
	[tilespmem:v6+s10+$0x0] =	vst.idx.add.f32.msk $0xffff, v1  }
0x4c: {  	[tilespmem:v2+s10+$0x0] =	vst.idx.add.f32.msk $0xffff, v1;
	v2 =	vand.u32 $0xFFFF, v7  }
0x4d: {  	v6 =	vshrl.u32 v7, $0x10;
	[tilespmem:v9+s10+$0x0] =	vst.idx.add.f32.msk $0xffff, v1  }
0x4e: {  	[tilespmem:v3+s10+$0x0] =	vst.idx.add.f32.msk $0xffff, v1;
	v3 =	vand.u32 $0xFFFF, v10  }
0x4f: {  	v7 =	vshrl.u32 v10, $0x10;
	[tilespmem:v12+s10+$0x0] =	vst.idx.add.f32.msk $0xffff, v1  }
0x50: {  	[tilespmem:v4+s10+$0x0] =	vst.idx.add.f32.msk $0xffff, v1;
	v4 =	vand.u32 $0xFFFF, v11  }
0x51: {  	v9 =	vshrl.u32 v11, $0x10;
	[tilespmem:v2+s10+$0x0] =	vst.idx.add.f32.msk $0xffff, v1  }
0x52: {  	[tilespmem:v6+s10+$0x0] =	vst.idx.add.f32.msk $0xffff, v1;
	v6 =	vand.u32 $0xFFFF, v8  }
0x53: {  	v8 =	vshrl.u32 v8, $0x10;
	[tilespmem:v3+s10+$0x0] =	vst.idx.add.f32.msk $0xffff, v1  }
0x54: {  	v3 =	vand.u32 $0xFFFF, v5;
	[tilespmem:v7+s10+$0x0] =	vst.idx.add.f32.msk $0xffff, v1  }
.Ltmp2:
0x55: {  	v2 =	vshrl.u32 v5, $0x10;
	[tilespmem:v4+s10+$0x0] =	vst.idx.add.f32.msk $0xffff, v1;
	(pc) =	sbr.rel @p0 .LBB2_6-.Ltmp2, $4  }
0x56: {  	[tilespmem:v9+s10+$0x0] =	vst.idx.add.f32.msk $0xffff, v1  }
0x57: {  	[tilespmem:v6+s10+$0x0] =	vst.idx.add.f32.msk $0xffff, v1  }
0x58: {  	[tilespmem:v8+s10+$0x0] =	vst.idx.add.f32.msk $0xffff, v1  }
0x59: {  	[tilespmem:v3+s10+$0x0] =	vst.idx.add.f32.msk $0xffff, v1  }
0x5a: {  	_ =	sdelay $0x3  }
0x5b: {  	[tilespmem:v2+s10+$0x0] =	vst.idx.add.f32.msk $0xffff, v1  }
.LBB2_8:
0x5c: {  	p0 =	seq.s32 s17, $0x1  }
.Ltmp3:
0x5d: {  	_ = 	snop;
	(pc) =	sbr.rel @!p0 .LBB2_12-.Ltmp3, $1  }
0x5e: {  	_ =	sdelay $0x3  }
0x5f: {  	_ =	swait.ge [sflag:s11], $0x4000  }
0x60: {  	[sflag:s11] =	ssyncset.done $0x0  }
0x61: {  	s18 =	simm.s32 $0x0;
	[sflag:s11] =	ssyncadd.s32 $0xFFFFC000  }
0x62: {  	v2 =	vld [tilespmem:s18+$0x4000];
	_ =	sdelay $0x1  }
0x63: {  	v3 =	vld [tilespmem:s18+$0x4010];
	_ =	sdelay $0x1  }
0x64: {  	v4 =	vld [tilespmem:s18+$0x4020]  }
0x65: {  	v5 =	vld [tilespmem:s18+$0x4070];
	v6 =	vand.u32 $0xFFFF, v2  }
0x66: {  	v7 =	vld [tilespmem:s18+$0x4030];
	v2 =	vshrl.u32 v2, $0x10  }
0x67: {  	v8 =	vld [tilespmem:s18+$0x4060];
	v9 =	vand.u32 $0xFFFF, v3  }
0x68: {  	v10 =	vld [tilespmem:s18+$0x4040];
	v3 =	vshrl.u32 v3, $0x10  }
0x69: {  	v11 =	vld [tilespmem:s18+$0x4050];
	v12 =	vand.u32 $0xFFFF, v4  }
0x6a: {  	v4 =	vshrl.u32 v4, $0x10;
	[tilespmem:v6+s10+$0x0] =	vst.idx.add.f32.msk $0xffff, v1  }
0x6b: {  	[tilespmem:v2+s10+$0x0] =	vst.idx.add.f32.msk $0xffff, v1;
	v2 =	vand.u32 $0xFFFF, v7  }
0x6c: {  	v59 =	vshrl.u32 v7, $0x10;
	[tilespmem:v9+s10+$0x0] =	vst.idx.add.f32.msk $0xffff, v1  }
0x6d: {  	[tilespmem:v3+s10+$0x0] =	vst.idx.add.f32.msk $0xffff, v1;
	v3 =	vand.u32 $0xFFFF, v10  }
0x6e: {  	v60 =	vshrl.u32 v10, $0x10;
	[tilespmem:v12+s10+$0x0] =	vst.idx.add.f32.msk $0xffff, v1  }
0x6f: {  	v61 =	vand.u32 $0xFFFF, v11;
	[tilespmem:v4+s10+$0x0] =	vst.idx.add.f32.msk $0xffff, v1  }
0x70: {  	v62 =	vshrl.u32 v11, $0x10;
	[tilespmem:v2+s10+$0x0] =	vst.idx.add.f32.msk $0xffff, v1  }
0x71: {  	v2 =	vand.u32 $0xFFFF, v8;
	[tilespmem:v59+s10+$0x0] =	vst.idx.add.f32.msk $0xffff, v1  }
0x72: {  	[tilespmem:v3+s10+$0x0] =	vst.idx.add.f32.msk $0xffff, v1  }
0x73: {  	[tilespmem:v60+s10+$0x0] =	vst.idx.add.f32.msk $0xffff, v1  }
0x74: {  	v63 =	vshrl.u32 v8, $0x10;
	[tilespmem:v61+s10+$0x0] =	vst.idx.add.f32.msk $0xffff, v1  }
0x75: {  	v3 =	vand.u32 $0xFFFF, v5;
	[tilespmem:v62+s10+$0x0] =	vst.idx.add.f32.msk $0xffff, v1  }
0x76: {  	[tilespmem:v2+s10+$0x0] =	vst.idx.add.f32.msk $0xffff, v1;
	v2 =	vshrl.u32 v5, $0x10;
	_ =	sdelay $0x2  }
0x77: {  	[tilespmem:v63+s10+$0x0] =	vst.idx.add.f32.msk $0xffff, v1  }
0x78: {  	s18 =	simm.s32 $0x200;
	[tilespmem:v3+s10+$0x0] =	vst.idx.add.f32.msk $0xffff, v1  }
.LBB2_10:
0x79: {  	s19 =	sshra.s32 s18, $0x2;
	p0 =	sne.s32 s18, $0xFE00;
	s18 =	sadd.s32 $0x200, s18;
	[tilespmem:v2+s10+$0x0] =	vst.idx.add.f32.msk $0xffff, v1  }
0x7a: {  	v2 =	vld [tilespmem:s19+$0x4000];
	_ =	sdelay $0x1  }
0x7b: {  	v3 =	vld [tilespmem:s19+$0x4010];
	_ =	sdelay $0x1  }
0x7c: {  	v4 =	vld [tilespmem:s19+$0x4020]  }
0x7d: {  	v5 =	vld [tilespmem:s19+$0x4070];
	v6 =	vand.u32 $0xFFFF, v2  }
0x7e: {  	v2 =	vshrl.u32 v2, $0x10;
	v7 =	vld [tilespmem:s19+$0x4030]  }
0x7f: {  	v8 =	vld [tilespmem:s19+$0x4060];
	v9 =	vand.u32 $0xFFFF, v3  }
0x80: {  	v3 =	vshrl.u32 v3, $0x10;
	v10 =	vld [tilespmem:s19+$0x4040]  }
0x81: {  	v11 =	vld [tilespmem:s19+$0x4050];
	v12 =	vand.u32 $0xFFFF, v4  }
0x82: {  	v4 =	vshrl.u32 v4, $0x10;
	[tilespmem:v6+s10+$0x0] =	vst.idx.add.f32.msk $0xffff, v1  }
0x83: {  	[tilespmem:v2+s10+$0x0] =	vst.idx.add.f32.msk $0xffff, v1;
	v2 =	vand.u32 $0xFFFF, v7  }
0x84: {  	v6 =	vshrl.u32 v7, $0x10;
	[tilespmem:v9+s10+$0x0] =	vst.idx.add.f32.msk $0xffff, v1  }
0x85: {  	[tilespmem:v3+s10+$0x0] =	vst.idx.add.f32.msk $0xffff, v1;
	v3 =	vand.u32 $0xFFFF, v10  }
0x86: {  	v7 =	vshrl.u32 v10, $0x10;
	[tilespmem:v12+s10+$0x0] =	vst.idx.add.f32.msk $0xffff, v1  }
0x87: {  	[tilespmem:v4+s10+$0x0] =	vst.idx.add.f32.msk $0xffff, v1;
	v4 =	vand.u32 $0xFFFF, v11  }
0x88: {  	v9 =	vshrl.u32 v11, $0x10;
	[tilespmem:v2+s10+$0x0] =	vst.idx.add.f32.msk $0xffff, v1  }
0x89: {  	[tilespmem:v6+s10+$0x0] =	vst.idx.add.f32.msk $0xffff, v1;
	v6 =	vand.u32 $0xFFFF, v8  }
0x8a: {  	v8 =	vshrl.u32 v8, $0x10;
	[tilespmem:v3+s10+$0x0] =	vst.idx.add.f32.msk $0xffff, v1  }
0x8b: {  	v3 =	vand.u32 $0xFFFF, v5;
	[tilespmem:v7+s10+$0x0] =	vst.idx.add.f32.msk $0xffff, v1  }
.Ltmp4:
0x8c: {  	v2 =	vshrl.u32 v5, $0x10;
	[tilespmem:v4+s10+$0x0] =	vst.idx.add.f32.msk $0xffff, v1;
	(pc) =	sbr.rel @p0 .LBB2_10-.Ltmp4, $4  }
0x8d: {  	[tilespmem:v9+s10+$0x0] =	vst.idx.add.f32.msk $0xffff, v1  }
0x8e: {  	[tilespmem:v6+s10+$0x0] =	vst.idx.add.f32.msk $0xffff, v1  }
0x8f: {  	[tilespmem:v8+s10+$0x0] =	vst.idx.add.f32.msk $0xffff, v1  }
0x90: {  	[tilespmem:v3+s10+$0x0] =	vst.idx.add.f32.msk $0xffff, v1  }
0x91: {  	_ =	sdelay $0x3  }
0x92: {  	[tilespmem:v2+s10+$0x0] =	vst.idx.add.f32.msk $0xffff, v1  }
.LBB2_12:
0x93: {  	p0 =	slt.u32 s16, $0x2  }
0x94: {  	s18 =	sadd.s32 @!p0 $0x3, s17  }
0x95: {  	_ =	swait.ge @!p0 [sflag:s18], $0x400  }
0x96: {  	[sflag:s18] =	ssyncset.done @!p0 $0x0  }
0x97: {  	s19 =	simm.s32 $0x0;
	[sflag:s18] =	ssyncadd.s32 @!p0 $0xFFFFFC00;
	s18 =	simm.s32 $0x8000  }
0x98: {  	s22 =	sand.u32 $0x3F0, s19;
	v2 =	vld [tilespmem:s18+$0x0];
	[tilespmem:s18+$0x0] =	vst v0  }
0x99: {  	v3 =	vld [tilespmem:s22+$0x8400];
	_ =	sdelay $0x1  }
0x9a: {  	v4 =	vld [tilespmem:s22+$0x8800];
	_ =	sdelay $0x1  }
0x9b: {  	v5 =	vld [tilespmem:s22+$0x8C00]  }
0x9c: {  	v2 =	vadd.f32 v3, v2  }
0x9d: {  	v3 =	vld [tilespmem:s22+$0x9000]  }
0x9e: {  	v2 =	vadd.f32 v4, v2  }
0x9f: {  	v56 =	vld [tilespmem:s22+$0x9400]  }
0xa0: {  	v2 =	vadd.f32 v5, v2  }
0xa1: {  	v57 =	vld [tilespmem:s22+$0x9800]  }
0xa2: {  	v2 =	vadd.f32 v3, v2  }
0xa3: {  	v3 =	vld [tilespmem:s22+$0x9C00]  }
0xa4: {  	v2 =	vadd.f32 v56, v2  }
0xa5: {  	v58 =	vld [tilespmem:s22+$0xA000]  }
0xa6: {  	v2 =	vadd.f32 v57, v2  }
0xa7: {  	v59 =	vld [tilespmem:s22+$0xA400]  }
0xa8: {  	v2 =	vadd.f32 v3, v2  }
0xa9: {  	v3 =	vld [tilespmem:s22+$0xA800]  }
0xaa: {  	v2 =	vadd.f32 v58, v2  }
0xab: {  	[tilespmem:s22+$0x8400] =	vst v0;
	v60 =	vld [tilespmem:s22+$0xAC00]  }
0xac: {  	[tilespmem:s22+$0x8800] =	vst v0;
	v2 =	vadd.f32 v59, v2  }
0xad: {  	[tilespmem:s22+$0x8C00] =	vst v0;
	v61 =	vld [tilespmem:s22+$0xB000]  }
0xae: {  	[tilespmem:s22+$0x9400] =	vst v0;
	v2 =	vadd.f32 v3, v2  }
0xaf: {  	[tilespmem:s22+$0x9800] =	vst v0;
	v3 =	vld [tilespmem:s22+$0xB400]  }
0xb0: {  	[tilespmem:s22+$0xA000] =	vst v0;
	v2 =	vadd.f32 v60, v2  }
0xb1: {  	v62 =	vld [tilespmem:s22+$0xB800];
	[tilespmem:s22+$0xA400] =	vst v0  }
0xb2: {  	[tilespmem:s22+$0xAC00] =	vst v0;
	v2 =	vadd.f32 v61, v2  }
0xb3: {  	v63 =	vld [tilespmem:s22+$0xBC00];
	[tilespmem:s22+$0xB000] =	vst v0  }
0xb4: {  	[tilespmem:s22+$0xB800] =	vst v0;
	v2 =	vadd.f32 v3, v2  }
0xb5: {  	[tilespmem:s22+$0xBC00] =	vst v0  }
0xb6: {  	s20 =	sshll.u32 s17, $0x7;
	[tilespmem:s22+$0x9000] =	vst v0;
	v2 =	vadd.f32 v62, v2  }
0xb7: {  	s21 =	sor.u32 $0xC000, s20;
	s23 =	sand.u32 $0x700, s19;
	[tilespmem:s22+$0x9C00] =	vst v0  }
0xb8: {  	s24 =	sand.u32 $0x70, s19;
	s23 =	sadd.s32 s23, s21;
	[tilespmem:s22+$0xA800] =	vst v0;
	v2 =	vadd.f32 v63, v2  }
0xb9: {  	s23 =	sadd.s32 s24, s23;
	[tilespmem:s22+$0xB400] =	vst v0;
	s22 =	simm.s32 $0x10  }
.LBB2_13:
0xba: {  	p0 =	sne.s32 s22, $0x3F0;
	[tilespmem:s23+$0x0] =	vst v2;
	s19 =	sadd.s32 $0x20, s19;
	s18 =	sadd.s32 $0x10, s18  }
0xbb: {  	s23 =	smov.u32 s22;
	s22 =	sadd.s32 $0x10, s22;
	v2 =	vld [tilespmem:s18+$0x0]  }
0xbc: {  	s24 =	sand.u32 $0x3F0, s23;
	[tilespmem:s18+$0x0] =	vst v0  }
0xbd: {  	v3 =	vld [tilespmem:s24+$0x8400]  }
0xbe: {  	[tilespmem:s24+$0x8400] =	vst v0  }
0xbf: {  	v4 =	vld [tilespmem:s24+$0x8800]  }
0xc0: {  	[tilespmem:s24+$0x8800] =	vst v0  }
0xc1: {  	v5 =	vld [tilespmem:s24+$0x8C00]  }
0xc2: {  	v2 =	vadd.f32 v3, v2;
	[tilespmem:s24+$0x8C00] =	vst v0  }
0xc3: {  	v3 =	vld [tilespmem:s24+$0x9000]  }
0xc4: {  	v2 =	vadd.f32 v4, v2;
	[tilespmem:s24+$0x9000] =	vst v0  }
0xc5: {  	v4 =	vld [tilespmem:s24+$0x9400]  }
0xc6: {  	v2 =	vadd.f32 v5, v2;
	[tilespmem:s24+$0x9400] =	vst v0  }
0xc7: {  	v5 =	vld [tilespmem:s24+$0x9800]  }
0xc8: {  	v2 =	vadd.f32 v3, v2;
	[tilespmem:s24+$0x9800] =	vst v0  }
0xc9: {  	v3 =	vld [tilespmem:s24+$0x9C00]  }
0xca: {  	v2 =	vadd.f32 v4, v2;
	[tilespmem:s24+$0x9C00] =	vst v0  }
0xcb: {  	v4 =	vld [tilespmem:s24+$0xA000]  }
0xcc: {  	v2 =	vadd.f32 v5, v2;
	[tilespmem:s24+$0xA000] =	vst v0  }
0xcd: {  	v5 =	vld [tilespmem:s24+$0xA400]  }
0xce: {  	v2 =	vadd.f32 v3, v2;
	[tilespmem:s24+$0xA400] =	vst v0  }
0xcf: {  	v3 =	vld [tilespmem:s24+$0xA800]  }
0xd0: {  	v2 =	vadd.f32 v4, v2;
	[tilespmem:s24+$0xA800] =	vst v0  }
0xd1: {  	v4 =	vld [tilespmem:s24+$0xAC00]  }
0xd2: {  	v2 =	vadd.f32 v5, v2;
	[tilespmem:s24+$0xAC00] =	vst v0  }
0xd3: {  	v5 =	vld [tilespmem:s24+$0xB000]  }
0xd4: {  	v2 =	vadd.f32 v3, v2;
	[tilespmem:s24+$0xB000] =	vst v0  }
0xd5: {  	v3 =	vld [tilespmem:s24+$0xB400]  }
0xd6: {  	v2 =	vadd.f32 v4, v2;
	[tilespmem:s24+$0xB400] =	vst v0  }
0xd7: {  	v4 =	vld [tilespmem:s24+$0xB800]  }
0xd8: {  	v2 =	vadd.f32 v5, v2;
	[tilespmem:s24+$0xB800] =	vst v0  }
0xd9: {  	v5 =	vld [tilespmem:s24+$0xBC00]  }
0xda: {  	v2 =	vadd.f32 v3, v2;
	[tilespmem:s24+$0xBC00] =	vst v0  }
.Ltmp5:
0xdb: {  	(pc) =	sbr.rel @p0 .LBB2_13-.Ltmp5, $4  }
0xdc: {  	v2 =	vadd.f32 v4, v2  }
0xdd: {  	s24 =	sand.u32 $0x700, s19  }
0xde: {  	s23 =	sand.u32 $0x70, s23;
	s24 =	sadd.s32 s24, s21;
	v2 =	vadd.f32 v5, v2  }
0xdf: {  	s23 =	sadd.s32 s23, s24  }
0xe0: {  	s16 =	sshll.u32 s16, $0xC  }
0xe1: {  	[tilespmem:s23+$0x0] =	vst v2;
	s17 =	sadd.s32 $0x3, s17;
	s16 =	sadd.s32 s16, s7  }
0xe2: {  	[hbm4b:s16+s2] =	stream.linear.scatter [tilespmem:s21], [sflag:s17], $0x80, $0x38;
	[tilespmem:$0xC800] =	vst v63  }
0xe3: {  	s18 =	sor.u32 $0xC100, s20;
	s19 =	sadd.s32 $0x80, s16  }
0xe4: {  	[hbm4b:s19+s2] =	stream.linear.scatter [tilespmem:s18], [sflag:s17], $0x80, $0x38;
	[tilespmem:$0xC800] =	vst v63  }
0xe5: {  	s21 =	sadd.s32 $0x100, s16;
	s19 =	sor.u32 $0xC200, s20  }
0xe6: {  	[hbm4b:s21+s2] =	stream.linear.scatter [tilespmem:s19], [sflag:s17], $0x80, $0x38;
	[tilespmem:$0xC800] =	vst v63  }
0xe7: {  	s22 =	sor.u32 $0xC300, s20;
	s23 =	sadd.s32 $0x180, s16  }
0xe8: {  	[hbm4b:s23+s2] =	stream.linear.scatter [tilespmem:s22], [sflag:s17], $0x80, $0x38;
	[tilespmem:$0xC800] =	vst v63  }
0xe9: {  	s24 =	sor.u32 $0xC400, s20;
	s25 =	sadd.s32 $0x200, s16  }
0xea: {  	[hbm4b:s25+s2] =	stream.linear.scatter [tilespmem:s24], [sflag:s17], $0x80, $0x38;
	[tilespmem:$0xC800] =	vst v63  }
0xeb: {  	s26 =	sor.u32 $0xC500, s20;
	p0 =	sne.s32 s15, $0x15;
	s28 =	sadd.s32 $0x280, s16  }
0xec: {  	[hbm4b:s28+s2] =	stream.linear.scatter [tilespmem:s26], [sflag:s17], $0x80, $0x38;
	[tilespmem:$0xC800] =	vst v63  }
.Ltmp6:
0xed: {  	s29 =	sor.u32 $0xC600, s20;
	s30 =	sadd.s32 $0x300, s16;
	(pc) =	sbr.rel @p0 .LBB2_4-.Ltmp6, $4  }
0xee: {  	[hbm4b:s30+s2] =	stream.linear.scatter [tilespmem:s29], [sflag:s17], $0x80, $0x38;
	[tilespmem:$0xC800] =	vst v63  }
0xef: {  	s31 =	sor.u32 $0xC700, s20;
	s16 =	sadd.s32 $0x380, s16  }
0xf0: {  	[hbm4b:s16+s2] =	stream.linear.scatter [tilespmem:s31], [sflag:s17], $0x80, $0x38;
	[tilespmem:$0xC800] =	vst v63  }
0xf1: {  	s16 =	smov.u32 s15  }
0xf2: {  	s14 =	sadd.s32 $0x1, s14  }
0xf3: {  	_ =	swait.ge [sflag:s12], $0x400;
	p0 =	sne.s32 s14, s8  }
.Ltmp7:
0xf4: {  	[sflag:s12] =	ssyncset.done $0x0;
	(pc) =	sbr.rel @p0 .LBB2_1-.Ltmp7, $4  }
0xf5: {  	[sflag:s12] =	ssyncadd.s32 $0xFFFFFC00  }
0xf6: {  	_ =	swait.ge [sflag:s13], $0x400  }
0xf7: {  	[sflag:s13] =	ssyncset.done $0x0  }
0xf8: {  	[sflag:s13] =	ssyncadd.s32 $0xFFFFFC00  }
0xf9: {  	_ =	sfence.sel $0x180000  }
0xfa: {  	[bflag:$0x0] =	sbarrier.arrive $0xFFFF  }
0xfb: {  	p0 =	sne.s32 s1, $0x0;
	_ =	strace $0x90000047  }
0xfc: {  	s0 =	sadd.s32 @!p0 $0x100000, s0;
	[bflag:$0x2] =	sbarrier.arrive $0xFFFF  }
0xfd: {  	[sflag:s0] =	ssyncadd.tile.s32 @!p0 $0x1;
	_ =	shalt  }
.Lfunc_end2:
_tile_overlayer_lowered:
.L_overlay_start_2:
0xfe: {  	(tag) =	ssettag $0x2  }
0xff: {  	s0 =	rddreg [dreg:$0x0];
	s2 =	stileid.u32  }
0x100: {  	s1 =	rddreg [dreg:$0x1];
	p0 =	sne.s32 s2, $0x0  }
0x101: {  	s3 =	rddreg [dreg:$0x2];
	[bflag:$0x3] =	sbarrier.arrive $0xFFFF;
	s2 =	simm.s32 @!p0 $0x1C05  }
0x102: {  	[timem:s3], [sflag:s2] =	dma.local @!p0 [hbm:s0], s1  }
0x103: {  	s0 =	simm.s32 @!p0 $0x5  }
0x104: {  	_ =	swait.ge @!p0 [sflag:s0], s1  }
0x105: {  	s1 =	ssub.s32 @!p0 $0x0, s1;
	[sflag:s0] =	ssyncset.done @!p0 $0x0  }
0x106: {  	[sflag:s0] =	ssyncadd.s32 @!p0 s1  }
0x107: {  	[bflag:$0x3] =	sbarrier.arrive $0xFFFF  }
0x108: {  	_ =	shalt  }

</sc_bundles>
